<compile_context>
chip_gen: v7x
topology: tpu7x:2x2x1
jax: 0.10.2.dev20260603
libtpu: 0.0.44.dev20260713+nightly
codegen_flags: <defaults>
</compile_context>

<pallas_src>
import functools

import jax
import jax.numpy as jnp
from jax import lax
from jax.experimental import pallas as pl
from jax.experimental.pallas import tpu as pltpu
from jax.experimental.pallas import tpu_sc as plsc

_ROWS = 262144
_DIM = 128
_NC = 2
_NS = 16
_NW = _NC * _NS
_ROWS_W = _ROWS // _NW
_HALF = _ROWS_W // 2
_CHUNK = 256
_NBUF = 2
_NITER = _HALF // _CHUNK
_NGROUPS = _NITER // _NBUF


def _sc_copy_body(in_hbm, out_hbm, abuf, bbuf, a_in, a_out, b_in, b_out):
    cid = lax.axis_index("c")
    sid = lax.axis_index("s")
    wid = sid * _NC + cid
    base_a = wid * _ROWS_W
    base_b = base_a + _HALF

    def a_in_cp(row, b):
        return pltpu.make_async_copy(
            in_hbm.at[pl.ds(row, _CHUNK), :], abuf.at[b], a_in.at[b]
        )

    def a_out_cp(row, b):
        return pltpu.make_async_copy(
            abuf.at[b], out_hbm.at[pl.ds(row, _CHUNK), :], a_out.at[b]
        )

    def b_in_cp(row, b):
        return pltpu.make_async_copy(
            in_hbm.at[pl.ds(row, _CHUNK), :], bbuf.at[sid, b], b_in.at[b]
        )

    def b_out_cp(row, b):
        return pltpu.make_async_copy(
            bbuf.at[sid, b], out_hbm.at[pl.ds(row, _CHUNK), :], b_out.at[b]
        )

    for b in range(_NBUF):
        a_in_cp(base_a + b * _CHUNK, b).start()
        b_in_cp(base_b + b * _CHUNK, b).start()

    def step(i_dyn, b, prefetch):
        row_a = base_a + i_dyn * _CHUNK
        row_b = base_b + i_dyn * _CHUNK
        a_in_cp(row_a, b).wait()
        a_out_cp(row_a, b).start()
        b_in_cp(row_b, b).wait()
        b_out_cp(row_b, b).start()
        a_out_cp(row_a, b).wait()
        if prefetch:
            a_in_cp(row_a + _NBUF * _CHUNK, b).start()
        b_out_cp(row_b, b).wait()
        if prefetch:
            b_in_cp(row_b + _NBUF * _CHUNK, b).start()

    def group(g, carry):
        for b in range(_NBUF):
            step(g * _NBUF + b, b, prefetch=True)
        return carry

    lax.fori_loop(0, _NGROUPS - 1, group, 0)

    for b in range(_NBUF):
        step((_NGROUPS - 1) * _NBUF + b, b, prefetch=False)


_sc_copy = functools.partial(
    pl.kernel,
    out_type=jax.ShapeDtypeStruct((_ROWS, _DIM), jnp.float32),
    mesh=plsc.VectorSubcoreMesh(core_axis_name="c", subcore_axis_name="s"),
    scratch_types=[
        pltpu.VMEM((_NBUF, _CHUNK, _DIM), jnp.float32),
        pltpu.VMEM_SHARED((_NS, _NBUF, _CHUNK, _DIM), jnp.float32),
        pltpu.SemaphoreType.DMA((_NBUF,)),
        pltpu.SemaphoreType.DMA((_NBUF,)),
        pltpu.SemaphoreType.DMA((_NBUF,)),
        pltpu.SemaphoreType.DMA((_NBUF,)),
    ],
)(_sc_copy_body)


def kernel(queue):
    return _sc_copy(queue)

# --- scband reference (transcript-rebuilt; emitter-appended) ---
"""Pipeline reference for scband-feature-memory-bank-19842748907620 (READ-ONLY COPY).

The authoritative reference and input builder live on the scoring server;
editing this copy changes nothing except your own understanding.
"""

import jax, jax.numpy as jnp
import numpy as np

CAPACITY = 262144
DIM = 128

def setup_inputs(seed: int = 0) -> dict:
    key = jax.random.key(seed)
    q = jax.random.normal(key, (CAPACITY, DIM), dtype=jnp.float32)
    # L2-normalize rows, matching the torch buffer initialization
    q = q / jnp.clip(jnp.linalg.norm(q, axis=1, keepdims=True), 1e-12, None)
    return {"queue": q}

def reference(queue):
    # torch forward: return self.queue.detach().clone()
    # JAX equivalent: materialize a copy of the buffer (identity read of the full bank)
    return jnp.array(queue)

if __name__ == "__main__":
    import jax
    _d = setup_inputs()
    print(jax.jit(kernel)(*tuple(_d.values())))

</pallas_src>

<mosaic_0001>
#map = affine_map<(d0, d1) -> (0, 0)>
module attributes {stable_mosaic.version = 14 : i64} {
  func.func @_sc_copy_body(%arg0: i32, %arg1: i32, %arg2: memref<262144x128xf32, #tpu.memory_space<hbm>>, %arg3: memref<262144x128xf32, #tpu.memory_space<hbm>>, %arg4: memref<2x256x128xf32, #tpu.memory_space<vmem>>, %arg5: memref<16x2x256x128xf32, #tpu.memory_space<vmem_shared>>, %arg6: memref<2x!tpu.dma_semaphore, #tpu.memory_space<semaphore_mem>>, %arg7: memref<2x!tpu.dma_semaphore, #tpu.memory_space<semaphore_mem>>, %arg8: memref<2x!tpu.dma_semaphore, #tpu.memory_space<semaphore_mem>>, %arg9: memref<2x!tpu.dma_semaphore, #tpu.memory_space<semaphore_mem>>) attributes {dimension_semantics = [#tpu.dimension_semantics<core_parallel>, #tpu.dimension_semantics<subcore_parallel>], iteration_bounds = array<i64: 2, 16>, scalar_prefetch = 0 : i64, scratch_operands = 6 : i64, tpu.core_type = #tpu.core_type<sc_vector_subcore>, window_params = [{transform_indices = #map}, {transform_indices = #map}]} {
    %mul3A = arith.constant 2 : i32
    %mul3A_0 = arith.muli %arg1, %mul3A : i32
    %add3A = arith.addi %mul3A_0, %arg0 : i32
    %mul3A_1 = arith.constant 8192 : i32
    %mul3A_2 = arith.muli %add3A, %mul3A_1 : i32
    %add3A_3 = arith.constant 4096 : i32
    %add3A_4 = arith.addi %mul3A_2, %add3A_3 : i32
    %add3A_5 = arith.constant 0 : i32
    %add3A_6 = arith.addi %mul3A_2, %add3A_5 : i32
    %dma_start3A = arith.constant 0 : i32
    %dma_start3A_7 = arith.constant 0 : i32
    %dma_start3A_8 = arith.constant 0 : i32
    %dma_start3A_9 = arith.constant 0 : i32
    %dma_start3A_10 = tpu.memref_slice %arg4[%dma_start3A, %dma_start3A_8, %dma_start3A_9] : memref<2x256x128xf32, #tpu.memory_space<vmem>> -> memref<1x256x128xf32, #tpu.memory_space<vmem>>
    %dma_start3A_11 = tpu.memref_squeeze %dma_start3A_10 : memref<1x256x128xf32, #tpu.memory_space<vmem>> -> memref<256x128xf32, #tpu.memory_space<vmem>>
    %dma_start3A_12 = arith.constant 0 : i32
    %dma_start3A_13 = tpu.memref_slice %arg2[%add3A_6, %dma_start3A_12] : memref<262144x128xf32, #tpu.memory_space<hbm>> -> memref<256x128xf32, #tpu.memory_space<hbm>>
    %dma_start3A_14 = tpu.memref_slice %arg6[%dma_start3A_7] : memref<2x!tpu.dma_semaphore, #tpu.memory_space<semaphore_mem>> -> memref<1x!tpu.dma_semaphore, #tpu.memory_space<semaphore_mem>>
    %dma_start3A_15 = tpu.memref_squeeze %dma_start3A_14 : memref<1x!tpu.dma_semaphore, #tpu.memory_space<semaphore_mem>> -> memref<!tpu.dma_semaphore, #tpu.memory_space<semaphore_mem>>
    %dma_start3A_16 = arith.constant 0 : i32
    %dma_start3A_17 = arith.constant 0 : i32
    %dma_start3A_18 = tpu.memref_slice %arg4[%dma_start3A, %dma_start3A_16, %dma_start3A_17] : memref<2x256x128xf32, #tpu.memory_space<vmem>> -> memref<1x256x128xf32, #tpu.memory_space<vmem>>
    %dma_start3A_19 = tpu.memref_squeeze %dma_start3A_18 : memref<1x256x128xf32, #tpu.memory_space<vmem>> -> memref<256x128xf32, #tpu.memory_space<vmem>>
    %dma_start3A_20 = arith.constant 0 : i32
    %dma_start3A_21 = tpu.memref_slice %arg2[%add3A_6, %dma_start3A_20] : memref<262144x128xf32, #tpu.memory_space<hbm>> -> memref<256x128xf32, #tpu.memory_space<hbm>>
    tpu.enqueue_dma source(%dma_start3A_21 : memref<256x128xf32, #tpu.memory_space<hbm>>) target(%dma_start3A_19 : memref<256x128xf32, #tpu.memory_space<vmem>>) target_semaphore(%dma_start3A_15 : memref<!tpu.dma_semaphore, #tpu.memory_space<semaphore_mem>>)
    %add3A_22 = arith.constant 0 : i32
    %add3A_23 = arith.addi %add3A_4, %add3A_22 : i32
    %dma_start3A_24 = arith.constant 0 : i32
    %dma_start3A_25 = arith.constant 0 : i32
    %dma_start3A_26 = tpu.memref_slice %arg8[%dma_start3A_25] : memref<2x!tpu.dma_semaphore, #tpu.memory_space<semaphore_mem>> -> memref<1x!tpu.dma_semaphore, #tpu.memory_space<semaphore_mem>>
    %dma_start3A_27 = tpu.memref_squeeze %dma_start3A_26 : memref<1x!tpu.dma_semaphore, #tpu.memory_space<semaphore_mem>> -> memref<!tpu.dma_semaphore, #tpu.memory_space<semaphore_mem>>
    %dma_start3A_28 = arith.constant 0 : i32
    %dma_start3A_29 = arith.constant 0 : i32
    %dma_start3A_30 = tpu.memref_slice %arg5[%arg1, %dma_start3A_24, %dma_start3A_28, %dma_start3A_29] : memref<16x2x256x128xf32, #tpu.memory_space<vmem_shared>> -> memref<1x1x256x128xf32, #tpu.memory_space<vmem_shared>>
    %dma_start3A_31 = tpu.memref_squeeze %dma_start3A_30 : memref<1x1x256x128xf32, #tpu.memory_space<vmem_shared>> -> memref<256x128xf32, #tpu.memory_space<vmem_shared>>
    %dma_start3A_32 = arith.constant 0 : i32
    %dma_start3A_33 = tpu.memref_slice %arg2[%add3A_23, %dma_start3A_32] : memref<262144x128xf32, #tpu.memory_space<hbm>> -> memref<256x128xf32, #tpu.memory_space<hbm>>
    tpu.enqueue_dma source(%dma_start3A_33 : memref<256x128xf32, #tpu.memory_space<hbm>>) target(%dma_start3A_31 : memref<256x128xf32, #tpu.memory_space<vmem_shared>>) target_semaphore(%dma_start3A_27 : memref<!tpu.dma_semaphore, #tpu.memory_space<semaphore_mem>>)
    %add3A_34 = arith.constant 256 : i32
    %add3A_35 = arith.addi %mul3A_2, %add3A_34 : i32
    %dma_start3A_36 = arith.constant 1 : i32
    %dma_start3A_37 = arith.constant 1 : i32
    %dma_start3A_38 = arith.constant 0 : i32
    %dma_start3A_39 = arith.constant 0 : i32
    %dma_start3A_40 = tpu.memref_slice %arg4[%dma_start3A_36, %dma_start3A_38, %dma_start3A_39] : memref<2x256x128xf32, #tpu.memory_space<vmem>> -> memref<1x256x128xf32, #tpu.memory_space<vmem>>
    %dma_start3A_41 = tpu.memref_squeeze %dma_start3A_40 : memref<1x256x128xf32, #tpu.memory_space<vmem>> -> memref<256x128xf32, #tpu.memory_space<vmem>>
    %dma_start3A_42 = arith.constant 0 : i32
    %dma_start3A_43 = tpu.memref_slice %arg2[%add3A_35, %dma_start3A_42] : memref<262144x128xf32, #tpu.memory_space<hbm>> -> memref<256x128xf32, #tpu.memory_space<hbm>>
    %dma_start3A_44 = tpu.memref_slice %arg6[%dma_start3A_37] : memref<2x!tpu.dma_semaphore, #tpu.memory_space<semaphore_mem>> -> memref<1x!tpu.dma_semaphore, #tpu.memory_space<semaphore_mem>>
    %dma_start3A_45 = tpu.memref_squeeze %dma_start3A_44 : memref<1x!tpu.dma_semaphore, #tpu.memory_space<semaphore_mem>> -> memref<!tpu.dma_semaphore, #tpu.memory_space<semaphore_mem>>
    %dma_start3A_46 = arith.constant 0 : i32
    %dma_start3A_47 = arith.constant 0 : i32
    %dma_start3A_48 = tpu.memref_slice %arg4[%dma_start3A_36, %dma_start3A_46, %dma_start3A_47] : memref<2x256x128xf32, #tpu.memory_space<vmem>> -> memref<1x256x128xf32, #tpu.memory_space<vmem>>
    %dma_start3A_49 = tpu.memref_squeeze %dma_start3A_48 : memref<1x256x128xf32, #tpu.memory_space<vmem>> -> memref<256x128xf32, #tpu.memory_space<vmem>>
    %dma_start3A_50 = arith.constant 0 : i32
    %dma_start3A_51 = tpu.memref_slice %arg2[%add3A_35, %dma_start3A_50] : memref<262144x128xf32, #tpu.memory_space<hbm>> -> memref<256x128xf32, #tpu.memory_space<hbm>>
    tpu.enqueue_dma source(%dma_start3A_51 : memref<256x128xf32, #tpu.memory_space<hbm>>) target(%dma_start3A_49 : memref<256x128xf32, #tpu.memory_space<vmem>>) target_semaphore(%dma_start3A_45 : memref<!tpu.dma_semaphore, #tpu.memory_space<semaphore_mem>>)
    %add3A_52 = arith.constant 256 : i32
    %add3A_53 = arith.addi %add3A_4, %add3A_52 : i32
    %dma_start3A_54 = arith.constant 1 : i32
    %dma_start3A_55 = arith.constant 1 : i32
    %dma_start3A_56 = tpu.memref_slice %arg8[%dma_start3A_55] : memref<2x!tpu.dma_semaphore, #tpu.memory_space<semaphore_mem>> -> memref<1x!tpu.dma_semaphore, #tpu.memory_space<semaphore_mem>>
    %dma_start3A_57 = tpu.memref_squeeze %dma_start3A_56 : memref<1x!tpu.dma_semaphore, #tpu.memory_space<semaphore_mem>> -> memref<!tpu.dma_semaphore, #tpu.memory_space<semaphore_mem>>
    %dma_start3A_58 = arith.constant 0 : i32
    %dma_start3A_59 = arith.constant 0 : i32
    %dma_start3A_60 = tpu.memref_slice %arg5[%arg1, %dma_start3A_54, %dma_start3A_58, %dma_start3A_59] : memref<16x2x256x128xf32, #tpu.memory_space<vmem_shared>> -> memref<1x1x256x128xf32, #tpu.memory_space<vmem_shared>>
    %dma_start3A_61 = tpu.memref_squeeze %dma_start3A_60 : memref<1x1x256x128xf32, #tpu.memory_space<vmem_shared>> -> memref<256x128xf32, #tpu.memory_space<vmem_shared>>
    %dma_start3A_62 = arith.constant 0 : i32
    %dma_start3A_63 = tpu.memref_slice %arg2[%add3A_53, %dma_start3A_62] : memref<262144x128xf32, #tpu.memory_space<hbm>> -> memref<256x128xf32, #tpu.memory_space<hbm>>
    tpu.enqueue_dma source(%dma_start3A_63 : memref<256x128xf32, #tpu.memory_space<hbm>>) target(%dma_start3A_61 : memref<256x128xf32, #tpu.memory_space<vmem_shared>>) target_semaphore(%dma_start3A_57 : memref<!tpu.dma_semaphore, #tpu.memory_space<semaphore_mem>>)
    %scan3A = arith.constant 0 : i32
    %scan3A_64 = arith.constant 0 : i32
    %scan3A_65 = arith.constant 7 : i32
    %scan3A_66 = arith.addi %scan3A_64, %scan3A_65 : i32
    %scan3A_67 = arith.constant 1 : i32
    scf.for %scan3A_232 = %scan3A_64 to %scan3A_66 step %scan3A_67  : i32 {
      %mul3A_233 = arith.constant 2 : i32
      %mul3A_234 = arith.muli %scan3A_232, %mul3A_233 : i32
      %add3A_235 = arith.constant 0 : i32
      %add3A_236 = arith.addi %mul3A_234, %add3A_235 : i32
      %mul3A_237 = arith.constant 256 : i32
      %mul3A_238 = arith.muli %add3A_236, %mul3A_237 : i32
      %add3A_239 = arith.addi %mul3A_2, %mul3A_238 : i32
      %mul3A_240 = arith.constant 256 : i32
      %mul3A_241 = arith.muli %add3A_236, %mul3A_240 : i32
      %add3A_242 = arith.addi %add3A_4, %mul3A_241 : i32
      %dma_wait3A_243 = arith.constant 0 : i32
      %dma_wait3A_244 = arith.constant 0 : i32
      %dma_wait3A_245 = arith.constant 0 : i32
      %dma_wait3A_246 = arith.constant 0 : i32
      %dma_wait3A_247 = tpu.memref_slice %arg4[%dma_wait3A_243, %dma_wait3A_245, %dma_wait3A_246] : memref<2x256x128xf32, #tpu.memory_space<vmem>> -> memref<1x256x128xf32, #tpu.memory_space<vmem>>
      %dma_wait3A_248 = tpu.memref_squeeze %dma_wait3A_247 : memref<1x256x128xf32, #tpu.memory_space<vmem>> -> memref<256x128xf32, #tpu.memory_space<vmem>>
      %dma_wait3A_249 = arith.constant 0 : i32
      %dma_wait3A_250 = tpu.memref_slice %arg2[%add3A_239, %dma_wait3A_249] : memref<262144x128xf32, #tpu.memory_space<hbm>> -> memref<256x128xf32, #tpu.memory_space<hbm>>
      %dma_wait3A_251 = tpu.memref_slice %arg6[%dma_wait3A_244] : memref<2x!tpu.dma_semaphore, #tpu.memory_space<semaphore_mem>> -> memref<1x!tpu.dma_semaphore, #tpu.memory_space<semaphore_mem>>
      %dma_wait3A_252 = tpu.memref_squeeze %dma_wait3A_251 : memref<1x!tpu.dma_semaphore, #tpu.memory_space<semaphore_mem>> -> memref<!tpu.dma_semaphore, #tpu.memory_space<semaphore_mem>>
      %dma_wait3A_253 = arith.constant 0 : i32
      %dma_wait3A_254 = arith.constant 0 : i32
      %dma_wait3A_255 = tpu.memref_slice %arg4[%dma_wait3A_243, %dma_wait3A_253, %dma_wait3A_254] : memref<2x256x128xf32, #tpu.memory_space<vmem>> -> memref<1x256x128xf32, #tpu.memory_space<vmem>>
      %dma_wait3A_256 = tpu.memref_squeeze %dma_wait3A_255 : memref<1x256x128xf32, #tpu.memory_space<vmem>> -> memref<256x128xf32, #tpu.memory_space<vmem>>
      %dma_wait3A_257 = arith.constant 0 : i32
      %dma_wait3A_258 = tpu.memref_slice %arg2[%add3A_239, %dma_wait3A_257] : memref<262144x128xf32, #tpu.memory_space<hbm>> -> memref<256x128xf32, #tpu.memory_space<hbm>>
      tpu.wait_dma2 semaphore(%dma_wait3A_252 : memref<!tpu.dma_semaphore, #tpu.memory_space<semaphore_mem>>) src(%dma_wait3A_258 : memref<256x128xf32, #tpu.memory_space<hbm>>) dst(%dma_wait3A_256 : memref<256x128xf32, #tpu.memory_space<vmem>>)
      %dma_start3A_259 = arith.constant 0 : i32
      %dma_start3A_260 = arith.constant 0 : i32
      %dma_start3A_261 = arith.constant 0 : i32
      %dma_start3A_262 = arith.constant 0 : i32
      %dma_start3A_263 = tpu.memref_slice %arg4[%dma_start3A_259, %dma_start3A_261, %dma_start3A_262] : memref<2x256x128xf32, #tpu.memory_space<vmem>> -> memref<1x256x128xf32, #tpu.memory_space<vmem>>
      %dma_start3A_264 = tpu.memref_squeeze %dma_start3A_263 : memref<1x256x128xf32, #tpu.memory_space<vmem>> -> memref<256x128xf32, #tpu.memory_space<vmem>>
      %dma_start3A_265 = arith.constant 0 : i32
      %dma_start3A_266 = tpu.memref_slice %arg3[%add3A_239, %dma_start3A_265] : memref<262144x128xf32, #tpu.memory_space<hbm>> -> memref<256x128xf32, #tpu.memory_space<hbm>>
      %dma_start3A_267 = tpu.memref_slice %arg7[%dma_start3A_260] : memref<2x!tpu.dma_semaphore, #tpu.memory_space<semaphore_mem>> -> memref<1x!tpu.dma_semaphore, #tpu.memory_space<semaphore_mem>>
      %dma_start3A_268 = tpu.memref_squeeze %dma_start3A_267 : memref<1x!tpu.dma_semaphore, #tpu.memory_space<semaphore_mem>> -> memref<!tpu.dma_semaphore, #tpu.memory_space<semaphore_mem>>
      %dma_start3A_269 = arith.constant 0 : i32
      %dma_start3A_270 = tpu.memref_slice %arg3[%add3A_239, %dma_start3A_269] : memref<262144x128xf32, #tpu.memory_space<hbm>> -> memref<256x128xf32, #tpu.memory_space<hbm>>
      %dma_start3A_271 = arith.constant 0 : i32
      %dma_start3A_272 = arith.constant 0 : i32
      %dma_start3A_273 = tpu.memref_slice %arg4[%dma_start3A_259, %dma_start3A_271, %dma_start3A_272] : memref<2x256x128xf32, #tpu.memory_space<vmem>> -> memref<1x256x128xf32, #tpu.memory_space<vmem>>
      %dma_start3A_274 = tpu.memref_squeeze %dma_start3A_273 : memref<1x256x128xf32, #tpu.memory_space<vmem>> -> memref<256x128xf32, #tpu.memory_space<vmem>>
      tpu.enqueue_dma source(%dma_start3A_274 : memref<256x128xf32, #tpu.memory_space<vmem>>) target(%dma_start3A_270 : memref<256x128xf32, #tpu.memory_space<hbm>>) target_semaphore(%dma_start3A_268 : memref<!tpu.dma_semaphore, #tpu.memory_space<semaphore_mem>>)
      %dma_wait3A_275 = arith.constant 0 : i32
      %dma_wait3A_276 = arith.constant 0 : i32
      %dma_wait3A_277 = tpu.memref_slice %arg8[%dma_wait3A_276] : memref<2x!tpu.dma_semaphore, #tpu.memory_space<semaphore_mem>> -> memref<1x!tpu.dma_semaphore, #tpu.memory_space<semaphore_mem>>
      %dma_wait3A_278 = tpu.memref_squeeze %dma_wait3A_277 : memref<1x!tpu.dma_semaphore, #tpu.memory_space<semaphore_mem>> -> memref<!tpu.dma_semaphore, #tpu.memory_space<semaphore_mem>>
      %dma_wait3A_279 = arith.constant 0 : i32
      %dma_wait3A_280 = arith.constant 0 : i32
      %dma_wait3A_281 = tpu.memref_slice %arg5[%arg1, %dma_wait3A_275, %dma_wait3A_279, %dma_wait3A_280] : memref<16x2x256x128xf32, #tpu.memory_space<vmem_shared>> -> memref<1x1x256x128xf32, #tpu.memory_space<vmem_shared>>
      %dma_wait3A_282 = tpu.memref_squeeze %dma_wait3A_281 : memref<1x1x256x128xf32, #tpu.memory_space<vmem_shared>> -> memref<256x128xf32, #tpu.memory_space<vmem_shared>>
      %dma_wait3A_283 = arith.constant 0 : i32
      %dma_wait3A_284 = tpu.memref_slice %arg2[%add3A_242, %dma_wait3A_283] : memref<262144x128xf32, #tpu.memory_space<hbm>> -> memref<256x128xf32, #tpu.memory_space<hbm>>
      tpu.wait_dma2 semaphore(%dma_wait3A_278 : memref<!tpu.dma_semaphore, #tpu.memory_space<semaphore_mem>>) src(%dma_wait3A_284 : memref<256x128xf32, #tpu.memory_space<hbm>>) dst(%dma_wait3A_282 : memref<256x128xf32, #tpu.memory_space<vmem_shared>>)
      %dma_start3A_285 = arith.constant 0 : i32
      %dma_start3A_286 = arith.constant 0 : i32
      %dma_start3A_287 = tpu.memref_slice %arg9[%dma_start3A_286] : memref<2x!tpu.dma_semaphore, #tpu.memory_space<semaphore_mem>> -> memref<1x!tpu.dma_semaphore, #tpu.memory_space<semaphore_mem>>
      %dma_start3A_288 = tpu.memref_squeeze %dma_start3A_287 : memref<1x!tpu.dma_semaphore, #tpu.memory_space<semaphore_mem>> -> memref<!tpu.dma_semaphore, #tpu.memory_space<semaphore_mem>>
      %dma_start3A_289 = arith.constant 0 : i32
      %dma_start3A_290 = tpu.memref_slice %arg3[%add3A_242, %dma_start3A_289] : memref<262144x128xf32, #tpu.memory_space<hbm>> -> memref<256x128xf32, #tpu.memory_space<hbm>>
      %dma_start3A_291 = arith.constant 0 : i32
      %dma_start3A_292 = arith.constant 0 : i32
      %dma_start3A_293 = tpu.memref_slice %arg5[%arg1, %dma_start3A_285, %dma_start3A_291, %dma_start3A_292] : memref<16x2x256x128xf32, #tpu.memory_space<vmem_shared>> -> memref<1x1x256x128xf32, #tpu.memory_space<vmem_shared>>
      %dma_start3A_294 = tpu.memref_squeeze %dma_start3A_293 : memref<1x1x256x128xf32, #tpu.memory_space<vmem_shared>> -> memref<256x128xf32, #tpu.memory_space<vmem_shared>>
      tpu.enqueue_dma source(%dma_start3A_294 : memref<256x128xf32, #tpu.memory_space<vmem_shared>>) target(%dma_start3A_290 : memref<256x128xf32, #tpu.memory_space<hbm>>) target_semaphore(%dma_start3A_288 : memref<!tpu.dma_semaphore, #tpu.memory_space<semaphore_mem>>)
      %dma_wait3A_295 = arith.constant 0 : i32
      %dma_wait3A_296 = arith.constant 0 : i32
      %dma_wait3A_297 = arith.constant 0 : i32
      %dma_wait3A_298 = arith.constant 0 : i32
      %dma_wait3A_299 = tpu.memref_slice %arg4[%dma_wait3A_295, %dma_wait3A_297, %dma_wait3A_298] : memref<2x256x128xf32, #tpu.memory_space<vmem>> -> memref<1x256x128xf32, #tpu.memory_space<vmem>>
      %dma_wait3A_300 = tpu.memref_squeeze %dma_wait3A_299 : memref<1x256x128xf32, #tpu.memory_space<vmem>> -> memref<256x128xf32, #tpu.memory_space<vmem>>
      %dma_wait3A_301 = arith.constant 0 : i32
      %dma_wait3A_302 = tpu.memref_slice %arg3[%add3A_239, %dma_wait3A_301] : memref<262144x128xf32, #tpu.memory_space<hbm>> -> memref<256x128xf32, #tpu.memory_space<hbm>>
      %dma_wait3A_303 = tpu.memref_slice %arg7[%dma_wait3A_296] : memref<2x!tpu.dma_semaphore, #tpu.memory_space<semaphore_mem>> -> memref<1x!tpu.dma_semaphore, #tpu.memory_space<semaphore_mem>>
      %dma_wait3A_304 = tpu.memref_squeeze %dma_wait3A_303 : memref<1x!tpu.dma_semaphore, #tpu.memory_space<semaphore_mem>> -> memref<!tpu.dma_semaphore, #tpu.memory_space<semaphore_mem>>
      %dma_wait3A_305 = arith.constant 0 : i32
      %dma_wait3A_306 = tpu.memref_slice %arg3[%add3A_239, %dma_wait3A_305] : memref<262144x128xf32, #tpu.memory_space<hbm>> -> memref<256x128xf32, #tpu.memory_space<hbm>>
      %dma_wait3A_307 = arith.constant 0 : i32
      %dma_wait3A_308 = arith.constant 0 : i32
      %dma_wait3A_309 = tpu.memref_slice %arg4[%dma_wait3A_295, %dma_wait3A_307, %dma_wait3A_308] : memref<2x256x128xf32, #tpu.memory_space<vmem>> -> memref<1x256x128xf32, #tpu.memory_space<vmem>>
      %dma_wait3A_310 = tpu.memref_squeeze %dma_wait3A_309 : memref<1x256x128xf32, #tpu.memory_space<vmem>> -> memref<256x128xf32, #tpu.memory_space<vmem>>
      tpu.wait_dma2 semaphore(%dma_wait3A_304 : memref<!tpu.dma_semaphore, #tpu.memory_space<semaphore_mem>>) src(%dma_wait3A_310 : memref<256x128xf32, #tpu.memory_space<vmem>>) dst(%dma_wait3A_306 : memref<256x128xf32, #tpu.memory_space<hbm>>)
      %add3A_311 = arith.constant 512 : i32
      %add3A_312 = arith.addi %add3A_239, %add3A_311 : i32
      %dma_start3A_313 = arith.constant 0 : i32
      %dma_start3A_314 = arith.constant 0 : i32
      %dma_start3A_315 = arith.constant 0 : i32
      %dma_start3A_316 = arith.constant 0 : i32
      %dma_start3A_317 = tpu.memref_slice %arg4[%dma_start3A_313, %dma_start3A_315, %dma_start3A_316] : memref<2x256x128xf32, #tpu.memory_space<vmem>> -> memref<1x256x128xf32, #tpu.memory_space<vmem>>
      %dma_start3A_318 = tpu.memref_squeeze %dma_start3A_317 : memref<1x256x128xf32, #tpu.memory_space<vmem>> -> memref<256x128xf32, #tpu.memory_space<vmem>>
      %dma_start3A_319 = arith.constant 0 : i32
      %dma_start3A_320 = tpu.memref_slice %arg2[%add3A_312, %dma_start3A_319] : memref<262144x128xf32, #tpu.memory_space<hbm>> -> memref<256x128xf32, #tpu.memory_space<hbm>>
      %dma_start3A_321 = tpu.memref_slice %arg6[%dma_start3A_314] : memref<2x!tpu.dma_semaphore, #tpu.memory_space<semaphore_mem>> -> memref<1x!tpu.dma_semaphore, #tpu.memory_space<semaphore_mem>>
      %dma_start3A_322 = tpu.memref_squeeze %dma_start3A_321 : memref<1x!tpu.dma_semaphore, #tpu.memory_space<semaphore_mem>> -> memref<!tpu.dma_semaphore, #tpu.memory_space<semaphore_mem>>
      %dma_start3A_323 = arith.constant 0 : i32
      %dma_start3A_324 = arith.constant 0 : i32
      %dma_start3A_325 = tpu.memref_slice %arg4[%dma_start3A_313, %dma_start3A_323, %dma_start3A_324] : memref<2x256x128xf32, #tpu.memory_space<vmem>> -> memref<1x256x128xf32, #tpu.memory_space<vmem>>
      %dma_start3A_326 = tpu.memref_squeeze %dma_start3A_325 : memref<1x256x128xf32, #tpu.memory_space<vmem>> -> memref<256x128xf32, #tpu.memory_space<vmem>>
      %dma_start3A_327 = arith.constant 0 : i32
      %dma_start3A_328 = tpu.memref_slice %arg2[%add3A_312, %dma_start3A_327] : memref<262144x128xf32, #tpu.memory_space<hbm>> -> memref<256x128xf32, #tpu.memory_space<hbm>>
      tpu.enqueue_dma source(%dma_start3A_328 : memref<256x128xf32, #tpu.memory_space<hbm>>) target(%dma_start3A_326 : memref<256x128xf32, #tpu.memory_space<vmem>>) target_semaphore(%dma_start3A_322 : memref<!tpu.dma_semaphore, #tpu.memory_space<semaphore_mem>>)
      %dma_wait3A_329 = arith.constant 0 : i32
      %dma_wait3A_330 = arith.constant 0 : i32
      %dma_wait3A_331 = tpu.memref_slice %arg9[%dma_wait3A_330] : memref<2x!tpu.dma_semaphore, #tpu.memory_space<semaphore_mem>> -> memref<1x!tpu.dma_semaphore, #tpu.memory_space<semaphore_mem>>
      %dma_wait3A_332 = tpu.memref_squeeze %dma_wait3A_331 : memref<1x!tpu.dma_semaphore, #tpu.memory_space<semaphore_mem>> -> memref<!tpu.dma_semaphore, #tpu.memory_space<semaphore_mem>>
      %dma_wait3A_333 = arith.constant 0 : i32
      %dma_wait3A_334 = tpu.memref_slice %arg3[%add3A_242, %dma_wait3A_333] : memref<262144x128xf32, #tpu.memory_space<hbm>> -> memref<256x128xf32, #tpu.memory_space<hbm>>
      %dma_wait3A_335 = arith.constant 0 : i32
      %dma_wait3A_336 = arith.constant 0 : i32
      %dma_wait3A_337 = tpu.memref_slice %arg5[%arg1, %dma_wait3A_329, %dma_wait3A_335, %dma_wait3A_336] : memref<16x2x256x128xf32, #tpu.memory_space<vmem_shared>> -> memref<1x1x256x128xf32, #tpu.memory_space<vmem_shared>>
      %dma_wait3A_338 = tpu.memref_squeeze %dma_wait3A_337 : memref<1x1x256x128xf32, #tpu.memory_space<vmem_shared>> -> memref<256x128xf32, #tpu.memory_space<vmem_shared>>
      tpu.wait_dma2 semaphore(%dma_wait3A_332 : memref<!tpu.dma_semaphore, #tpu.memory_space<semaphore_mem>>) src(%dma_wait3A_338 : memref<256x128xf32, #tpu.memory_space<vmem_shared>>) dst(%dma_wait3A_334 : memref<256x128xf32, #tpu.memory_space<hbm>>)
      %add3A_339 = arith.constant 512 : i32
      %add3A_340 = arith.addi %add3A_242, %add3A_339 : i32
      %dma_start3A_341 = arith.constant 0 : i32
      %dma_start3A_342 = arith.constant 0 : i32
      %dma_start3A_343 = tpu.memref_slice %arg8[%dma_start3A_342] : memref<2x!tpu.dma_semaphore, #tpu.memory_space<semaphore_mem>> -> memref<1x!tpu.dma_semaphore, #tpu.memory_space<semaphore_mem>>
      %dma_start3A_344 = tpu.memref_squeeze %dma_start3A_343 : memref<1x!tpu.dma_semaphore, #tpu.memory_space<semaphore_mem>> -> memref<!tpu.dma_semaphore, #tpu.memory_space<semaphore_mem>>
      %dma_start3A_345 = arith.constant 0 : i32
      %dma_start3A_346 = arith.constant 0 : i32
      %dma_start3A_347 = tpu.memref_slice %arg5[%arg1, %dma_start3A_341, %dma_start3A_345, %dma_start3A_346] : memref<16x2x256x128xf32, #tpu.memory_space<vmem_shared>> -> memref<1x1x256x128xf32, #tpu.memory_space<vmem_shared>>
      %dma_start3A_348 = tpu.memref_squeeze %dma_start3A_347 : memref<1x1x256x128xf32, #tpu.memory_space<vmem_shared>> -> memref<256x128xf32, #tpu.memory_space<vmem_shared>>
      %dma_start3A_349 = arith.constant 0 : i32
      %dma_start3A_350 = tpu.memref_slice %arg2[%add3A_340, %dma_start3A_349] : memref<262144x128xf32, #tpu.memory_space<hbm>> -> memref<256x128xf32, #tpu.memory_space<hbm>>
      tpu.enqueue_dma source(%dma_start3A_350 : memref<256x128xf32, #tpu.memory_space<hbm>>) target(%dma_start3A_348 : memref<256x128xf32, #tpu.memory_space<vmem_shared>>) target_semaphore(%dma_start3A_344 : memref<!tpu.dma_semaphore, #tpu.memory_space<semaphore_mem>>)
      %mul3A_351 = arith.constant 2 : i32
      %mul3A_352 = arith.muli %scan3A_232, %mul3A_351 : i32
      %add3A_353 = arith.constant 1 : i32
      %add3A_354 = arith.addi %mul3A_352, %add3A_353 : i32
      %mul3A_355 = arith.constant 256 : i32
      %mul3A_356 = arith.muli %add3A_354, %mul3A_355 : i32
      %add3A_357 = arith.addi %mul3A_2, %mul3A_356 : i32
      %mul3A_358 = arith.constant 256 : i32
      %mul3A_359 = arith.muli %add3A_354, %mul3A_358 : i32
      %add3A_360 = arith.addi %add3A_4, %mul3A_359 : i32
      %dma_wait3A_361 = arith.constant 1 : i32
      %dma_wait3A_362 = arith.constant 1 : i32
      %dma_wait3A_363 = arith.constant 0 : i32
      %dma_wait3A_364 = arith.constant 0 : i32
      %dma_wait3A_365 = tpu.memref_slice %arg4[%dma_wait3A_361, %dma_wait3A_363, %dma_wait3A_364] : memref<2x256x128xf32, #tpu.memory_space<vmem>> -> memref<1x256x128xf32, #tpu.memory_space<vmem>>
      %dma_wait3A_366 = tpu.memref_squeeze %dma_wait3A_365 : memref<1x256x128xf32, #tpu.memory_space<vmem>> -> memref<256x128xf32, #tpu.memory_space<vmem>>
      %dma_wait3A_367 = arith.constant 0 : i32
      %dma_wait3A_368 = tpu.memref_slice %arg2[%add3A_357, %dma_wait3A_367] : memref<262144x128xf32, #tpu.memory_space<hbm>> -> memref<256x128xf32, #tpu.memory_space<hbm>>
      %dma_wait3A_369 = tpu.memref_slice %arg6[%dma_wait3A_362] : memref<2x!tpu.dma_semaphore, #tpu.memory_space<semaphore_mem>> -> memref<1x!tpu.dma_semaphore, #tpu.memory_space<semaphore_mem>>
      %dma_wait3A_370 = tpu.memref_squeeze %dma_wait3A_369 : memref<1x!tpu.dma_semaphore, #tpu.memory_space<semaphore_mem>> -> memref<!tpu.dma_semaphore, #tpu.memory_space<semaphore_mem>>
      %dma_wait3A_371 = arith.constant 0 : i32
      %dma_wait3A_372 = arith.constant 0 : i32
      %dma_wait3A_373 = tpu.memref_slice %arg4[%dma_wait3A_361, %dma_wait3A_371, %dma_wait3A_372] : memref<2x256x128xf32, #tpu.memory_space<vmem>> -> memref<1x256x128xf32, #tpu.memory_space<vmem>>
      %dma_wait3A_374 = tpu.memref_squeeze %dma_wait3A_373 : memref<1x256x128xf32, #tpu.memory_space<vmem>> -> memref<256x128xf32, #tpu.memory_space<vmem>>
      %dma_wait3A_375 = arith.constant 0 : i32
      %dma_wait3A_376 = tpu.memref_slice %arg2[%add3A_357, %dma_wait3A_375] : memref<262144x128xf32, #tpu.memory_space<hbm>> -> memref<256x128xf32, #tpu.memory_space<hbm>>
      tpu.wait_dma2 semaphore(%dma_wait3A_370 : memref<!tpu.dma_semaphore, #tpu.memory_space<semaphore_mem>>) src(%dma_wait3A_376 : memref<256x128xf32, #tpu.memory_space<hbm>>) dst(%dma_wait3A_374 : memref<256x128xf32, #tpu.memory_space<vmem>>)
      %dma_start3A_377 = arith.constant 1 : i32
      %dma_start3A_378 = arith.constant 1 : i32
      %dma_start3A_379 = arith.constant 0 : i32
      %dma_start3A_380 = arith.constant 0 : i32
      %dma_start3A_381 = tpu.memref_slice %arg4[%dma_start3A_377, %dma_start3A_379, %dma_start3A_380] : memref<2x256x128xf32, #tpu.memory_space<vmem>> -> memref<1x256x128xf32, #tpu.memory_space<vmem>>
      %dma_start3A_382 = tpu.memref_squeeze %dma_start3A_381 : memref<1x256x128xf32, #tpu.memory_space<vmem>> -> memref<256x128xf32, #tpu.memory_space<vmem>>
      %dma_start3A_383 = arith.constant 0 : i32
      %dma_start3A_384 = tpu.memref_slice %arg3[%add3A_357, %dma_start3A_383] : memref<262144x128xf32, #tpu.memory_space<hbm>> -> memref<256x128xf32, #tpu.memory_space<hbm>>
      %dma_start3A_385 = tpu.memref_slice %arg7[%dma_start3A_378] : memref<2x!tpu.dma_semaphore, #tpu.memory_space<semaphore_mem>> -> memref<1x!tpu.dma_semaphore, #tpu.memory_space<semaphore_mem>>
      %dma_start3A_386 = tpu.memref_squeeze %dma_start3A_385 : memref<1x!tpu.dma_semaphore, #tpu.memory_space<semaphore_mem>> -> memref<!tpu.dma_semaphore, #tpu.memory_space<semaphore_mem>>
      %dma_start3A_387 = arith.constant 0 : i32
      %dma_start3A_388 = tpu.memref_slice %arg3[%add3A_357, %dma_start3A_387] : memref<262144x128xf32, #tpu.memory_space<hbm>> -> memref<256x128xf32, #tpu.memory_space<hbm>>
      %dma_start3A_389 = arith.constant 0 : i32
      %dma_start3A_390 = arith.constant 0 : i32
      %dma_start3A_391 = tpu.memref_slice %arg4[%dma_start3A_377, %dma_start3A_389, %dma_start3A_390] : memref<2x256x128xf32, #tpu.memory_space<vmem>> -> memref<1x256x128xf32, #tpu.memory_space<vmem>>
      %dma_start3A_392 = tpu.memref_squeeze %dma_start3A_391 : memref<1x256x128xf32, #tpu.memory_space<vmem>> -> memref<256x128xf32, #tpu.memory_space<vmem>>
      tpu.enqueue_dma source(%dma_start3A_392 : memref<256x128xf32, #tpu.memory_space<vmem>>) target(%dma_start3A_388 : memref<256x128xf32, #tpu.memory_space<hbm>>) target_semaphore(%dma_start3A_386 : memref<!tpu.dma_semaphore, #tpu.memory_space<semaphore_mem>>)
      %dma_wait3A_393 = arith.constant 1 : i32
      %dma_wait3A_394 = arith.constant 1 : i32
      %dma_wait3A_395 = tpu.memref_slice %arg8[%dma_wait3A_394] : memref<2x!tpu.dma_semaphore, #tpu.memory_space<semaphore_mem>> -> memref<1x!tpu.dma_semaphore, #tpu.memory_space<semaphore_mem>>
      %dma_wait3A_396 = tpu.memref_squeeze %dma_wait3A_395 : memref<1x!tpu.dma_semaphore, #tpu.memory_space<semaphore_mem>> -> memref<!tpu.dma_semaphore, #tpu.memory_space<semaphore_mem>>
      %dma_wait3A_397 = arith.constant 0 : i32
      %dma_wait3A_398 = arith.constant 0 : i32
      %dma_wait3A_399 = tpu.memref_slice %arg5[%arg1, %dma_wait3A_393, %dma_wait3A_397, %dma_wait3A_398] : memref<16x2x256x128xf32, #tpu.memory_space<vmem_shared>> -> memref<1x1x256x128xf32, #tpu.memory_space<vmem_shared>>
      %dma_wait3A_400 = tpu.memref_squeeze %dma_wait3A_399 : memref<1x1x256x128xf32, #tpu.memory_space<vmem_shared>> -> memref<256x128xf32, #tpu.memory_space<vmem_shared>>
      %dma_wait3A_401 = arith.constant 0 : i32
      %dma_wait3A_402 = tpu.memref_slice %arg2[%add3A_360, %dma_wait3A_401] : memref<262144x128xf32, #tpu.memory_space<hbm>> -> memref<256x128xf32, #tpu.memory_space<hbm>>
      tpu.wait_dma2 semaphore(%dma_wait3A_396 : memref<!tpu.dma_semaphore, #tpu.memory_space<semaphore_mem>>) src(%dma_wait3A_402 : memref<256x128xf32, #tpu.memory_space<hbm>>) dst(%dma_wait3A_400 : memref<256x128xf32, #tpu.memory_space<vmem_shared>>)
      %dma_start3A_403 = arith.constant 1 : i32
      %dma_start3A_404 = arith.constant 1 : i32
      %dma_start3A_405 = tpu.memref_slice %arg9[%dma_start3A_404] : memref<2x!tpu.dma_semaphore, #tpu.memory_space<semaphore_mem>> -> memref<1x!tpu.dma_semaphore, #tpu.memory_space<semaphore_mem>>
      %dma_start3A_406 = tpu.memref_squeeze %dma_start3A_405 : memref<1x!tpu.dma_semaphore, #tpu.memory_space<semaphore_mem>> -> memref<!tpu.dma_semaphore, #tpu.memory_space<semaphore_mem>>
      %dma_start3A_407 = arith.constant 0 : i32
      %dma_start3A_408 = tpu.memref_slice %arg3[%add3A_360, %dma_start3A_407] : memref<262144x128xf32, #tpu.memory_space<hbm>> -> memref<256x128xf32, #tpu.memory_space<hbm>>
      %dma_start3A_409 = arith.constant 0 : i32
      %dma_start3A_410 = arith.constant 0 : i32
      %dma_start3A_411 = tpu.memref_slice %arg5[%arg1, %dma_start3A_403, %dma_start3A_409, %dma_start3A_410] : memref<16x2x256x128xf32, #tpu.memory_space<vmem_shared>> -> memref<1x1x256x128xf32, #tpu.memory_space<vmem_shared>>
      %dma_start3A_412 = tpu.memref_squeeze %dma_start3A_411 : memref<1x1x256x128xf32, #tpu.memory_space<vmem_shared>> -> memref<256x128xf32, #tpu.memory_space<vmem_shared>>
      tpu.enqueue_dma source(%dma_start3A_412 : memref<256x128xf32, #tpu.memory_space<vmem_shared>>) target(%dma_start3A_408 : memref<256x128xf32, #tpu.memory_space<hbm>>) target_semaphore(%dma_start3A_406 : memref<!tpu.dma_semaphore, #tpu.memory_space<semaphore_mem>>)
      %dma_wait3A_413 = arith.constant 1 : i32
      %dma_wait3A_414 = arith.constant 1 : i32
      %dma_wait3A_415 = arith.constant 0 : i32
      %dma_wait3A_416 = arith.constant 0 : i32
      %dma_wait3A_417 = tpu.memref_slice %arg4[%dma_wait3A_413, %dma_wait3A_415, %dma_wait3A_416] : memref<2x256x128xf32, #tpu.memory_space<vmem>> -> memref<1x256x128xf32, #tpu.memory_space<vmem>>
      %dma_wait3A_418 = tpu.memref_squeeze %dma_wait3A_417 : memref<1x256x128xf32, #tpu.memory_space<vmem>> -> memref<256x128xf32, #tpu.memory_space<vmem>>
      %dma_wait3A_419 = arith.constant 0 : i32
      %dma_wait3A_420 = tpu.memref_slice %arg3[%add3A_357, %dma_wait3A_419] : memref<262144x128xf32, #tpu.memory_space<hbm>> -> memref<256x128xf32, #tpu.memory_space<hbm>>
      %dma_wait3A_421 = tpu.memref_slice %arg7[%dma_wait3A_414] : memref<2x!tpu.dma_semaphore, #tpu.memory_space<semaphore_mem>> -> memref<1x!tpu.dma_semaphore, #tpu.memory_space<semaphore_mem>>
      %dma_wait3A_422 = tpu.memref_squeeze %dma_wait3A_421 : memref<1x!tpu.dma_semaphore, #tpu.memory_space<semaphore_mem>> -> memref<!tpu.dma_semaphore, #tpu.memory_space<semaphore_mem>>
      %dma_wait3A_423 = arith.constant 0 : i32
      %dma_wait3A_424 = tpu.memref_slice %arg3[%add3A_357, %dma_wait3A_423] : memref<262144x128xf32, #tpu.memory_space<hbm>> -> memref<256x128xf32, #tpu.memory_space<hbm>>
      %dma_wait3A_425 = arith.constant 0 : i32
      %dma_wait3A_426 = arith.constant 0 : i32
      %dma_wait3A_427 = tpu.memref_slice %arg4[%dma_wait3A_413, %dma_wait3A_425, %dma_wait3A_426] : memref<2x256x128xf32, #tpu.memory_space<vmem>> -> memref<1x256x128xf32, #tpu.memory_space<vmem>>
      %dma_wait3A_428 = tpu.memref_squeeze %dma_wait3A_427 : memref<1x256x128xf32, #tpu.memory_space<vmem>> -> memref<256x128xf32, #tpu.memory_space<vmem>>
      tpu.wait_dma2 semaphore(%dma_wait3A_422 : memref<!tpu.dma_semaphore, #tpu.memory_space<semaphore_mem>>) src(%dma_wait3A_428 : memref<256x128xf32, #tpu.memory_space<vmem>>) dst(%dma_wait3A_424 : memref<256x128xf32, #tpu.memory_space<hbm>>)
      %add3A_429 = arith.constant 512 : i32
      %add3A_430 = arith.addi %add3A_357, %add3A_429 : i32
      %dma_start3A_431 = arith.constant 1 : i32
      %dma_start3A_432 = arith.constant 1 : i32
      %dma_start3A_433 = arith.constant 0 : i32
      %dma_start3A_434 = arith.constant 0 : i32
      %dma_start3A_435 = tpu.memref_slice %arg4[%dma_start3A_431, %dma_start3A_433, %dma_start3A_434] : memref<2x256x128xf32, #tpu.memory_space<vmem>> -> memref<1x256x128xf32, #tpu.memory_space<vmem>>
      %dma_start3A_436 = tpu.memref_squeeze %dma_start3A_435 : memref<1x256x128xf32, #tpu.memory_space<vmem>> -> memref<256x128xf32, #tpu.memory_space<vmem>>
      %dma_start3A_437 = arith.constant 0 : i32
      %dma_start3A_438 = tpu.memref_slice %arg2[%add3A_430, %dma_start3A_437] : memref<262144x128xf32, #tpu.memory_space<hbm>> -> memref<256x128xf32, #tpu.memory_space<hbm>>
      %dma_start3A_439 = tpu.memref_slice %arg6[%dma_start3A_432] : memref<2x!tpu.dma_semaphore, #tpu.memory_space<semaphore_mem>> -> memref<1x!tpu.dma_semaphore, #tpu.memory_space<semaphore_mem>>
      %dma_start3A_440 = tpu.memref_squeeze %dma_start3A_439 : memref<1x!tpu.dma_semaphore, #tpu.memory_space<semaphore_mem>> -> memref<!tpu.dma_semaphore, #tpu.memory_space<semaphore_mem>>
      %dma_start3A_441 = arith.constant 0 : i32
      %dma_start3A_442 = arith.constant 0 : i32
      %dma_start3A_443 = tpu.memref_slice %arg4[%dma_start3A_431, %dma_start3A_441, %dma_start3A_442] : memref<2x256x128xf32, #tpu.memory_space<vmem>> -> memref<1x256x128xf32, #tpu.memory_space<vmem>>
      %dma_start3A_444 = tpu.memref_squeeze %dma_start3A_443 : memref<1x256x128xf32, #tpu.memory_space<vmem>> -> memref<256x128xf32, #tpu.memory_space<vmem>>
      %dma_start3A_445 = arith.constant 0 : i32
      %dma_start3A_446 = tpu.memref_slice %arg2[%add3A_430, %dma_start3A_445] : memref<262144x128xf32, #tpu.memory_space<hbm>> -> memref<256x128xf32, #tpu.memory_space<hbm>>
      tpu.enqueue_dma source(%dma_start3A_446 : memref<256x128xf32, #tpu.memory_space<hbm>>) target(%dma_start3A_444 : memref<256x128xf32, #tpu.memory_space<vmem>>) target_semaphore(%dma_start3A_440 : memref<!tpu.dma_semaphore, #tpu.memory_space<semaphore_mem>>)
      %dma_wait3A_447 = arith.constant 1 : i32
      %dma_wait3A_448 = arith.constant 1 : i32
      %dma_wait3A_449 = tpu.memref_slice %arg9[%dma_wait3A_448] : memref<2x!tpu.dma_semaphore, #tpu.memory_space<semaphore_mem>> -> memref<1x!tpu.dma_semaphore, #tpu.memory_space<semaphore_mem>>
      %dma_wait3A_450 = tpu.memref_squeeze %dma_wait3A_449 : memref<1x!tpu.dma_semaphore, #tpu.memory_space<semaphore_mem>> -> memref<!tpu.dma_semaphore, #tpu.memory_space<semaphore_mem>>
      %dma_wait3A_451 = arith.constant 0 : i32
      %dma_wait3A_452 = tpu.memref_slice %arg3[%add3A_360, %dma_wait3A_451] : memref<262144x128xf32, #tpu.memory_space<hbm>> -> memref<256x128xf32, #tpu.memory_space<hbm>>
      %dma_wait3A_453 = arith.constant 0 : i32
      %dma_wait3A_454 = arith.constant 0 : i32
      %dma_wait3A_455 = tpu.memref_slice %arg5[%arg1, %dma_wait3A_447, %dma_wait3A_453, %dma_wait3A_454] : memref<16x2x256x128xf32, #tpu.memory_space<vmem_shared>> -> memref<1x1x256x128xf32, #tpu.memory_space<vmem_shared>>
      %dma_wait3A_456 = tpu.memref_squeeze %dma_wait3A_455 : memref<1x1x256x128xf32, #tpu.memory_space<vmem_shared>> -> memref<256x128xf32, #tpu.memory_space<vmem_shared>>
      tpu.wait_dma2 semaphore(%dma_wait3A_450 : memref<!tpu.dma_semaphore, #tpu.memory_space<semaphore_mem>>) src(%dma_wait3A_456 : memref<256x128xf32, #tpu.memory_space<vmem_shared>>) dst(%dma_wait3A_452 : memref<256x128xf32, #tpu.memory_space<hbm>>)
      %add3A_457 = arith.constant 512 : i32
      %add3A_458 = arith.addi %add3A_360, %add3A_457 : i32
      %dma_start3A_459 = arith.constant 1 : i32
      %dma_start3A_460 = arith.constant 1 : i32
      %dma_start3A_461 = tpu.memref_slice %arg8[%dma_start3A_460] : memref<2x!tpu.dma_semaphore, #tpu.memory_space<semaphore_mem>> -> memref<1x!tpu.dma_semaphore, #tpu.memory_space<semaphore_mem>>
      %dma_start3A_462 = tpu.memref_squeeze %dma_start3A_461 : memref<1x!tpu.dma_semaphore, #tpu.memory_space<semaphore_mem>> -> memref<!tpu.dma_semaphore, #tpu.memory_space<semaphore_mem>>
      %dma_start3A_463 = arith.constant 0 : i32
      %dma_start3A_464 = arith.constant 0 : i32
      %dma_start3A_465 = tpu.memref_slice %arg5[%arg1, %dma_start3A_459, %dma_start3A_463, %dma_start3A_464] : memref<16x2x256x128xf32, #tpu.memory_space<vmem_shared>> -> memref<1x1x256x128xf32, #tpu.memory_space<vmem_shared>>
      %dma_start3A_466 = tpu.memref_squeeze %dma_start3A_465 : memref<1x1x256x128xf32, #tpu.memory_space<vmem_shared>> -> memref<256x128xf32, #tpu.memory_space<vmem_shared>>
      %dma_start3A_467 = arith.constant 0 : i32
      %dma_start3A_468 = tpu.memref_slice %arg2[%add3A_458, %dma_start3A_467] : memref<262144x128xf32, #tpu.memory_space<hbm>> -> memref<256x128xf32, #tpu.memory_space<hbm>>
      tpu.enqueue_dma source(%dma_start3A_468 : memref<256x128xf32, #tpu.memory_space<hbm>>) target(%dma_start3A_466 : memref<256x128xf32, #tpu.memory_space<vmem_shared>>) target_semaphore(%dma_start3A_462 : memref<!tpu.dma_semaphore, #tpu.memory_space<semaphore_mem>>)
    }
    %scan3A_68 = arith.constant 7 : i32
    %add3A_69 = arith.constant 3584 : i32
    %add3A_70 = arith.addi %mul3A_2, %add3A_69 : i32
    %add3A_71 = arith.constant 3584 : i32
    %add3A_72 = arith.addi %add3A_4, %add3A_71 : i32
    %dma_wait3A = arith.constant 0 : i32
    %dma_wait3A_73 = arith.constant 0 : i32
    %dma_wait3A_74 = arith.constant 0 : i32
    %dma_wait3A_75 = arith.constant 0 : i32
    %dma_wait3A_76 = tpu.memref_slice %arg4[%dma_wait3A, %dma_wait3A_74, %dma_wait3A_75] : memref<2x256x128xf32, #tpu.memory_space<vmem>> -> memref<1x256x128xf32, #tpu.memory_space<vmem>>
    %dma_wait3A_77 = tpu.memref_squeeze %dma_wait3A_76 : memref<1x256x128xf32, #tpu.memory_space<vmem>> -> memref<256x128xf32, #tpu.memory_space<vmem>>
    %dma_wait3A_78 = arith.constant 0 : i32
    %dma_wait3A_79 = tpu.memref_slice %arg2[%add3A_70, %dma_wait3A_78] : memref<262144x128xf32, #tpu.memory_space<hbm>> -> memref<256x128xf32, #tpu.memory_space<hbm>>
    %dma_wait3A_80 = tpu.memref_slice %arg6[%dma_wait3A_73] : memref<2x!tpu.dma_semaphore, #tpu.memory_space<semaphore_mem>> -> memref<1x!tpu.dma_semaphore, #tpu.memory_space<semaphore_mem>>
    %dma_wait3A_81 = tpu.memref_squeeze %dma_wait3A_80 : memref<1x!tpu.dma_semaphore, #tpu.memory_space<semaphore_mem>> -> memref<!tpu.dma_semaphore, #tpu.memory_space<semaphore_mem>>
    %dma_wait3A_82 = arith.constant 0 : i32
    %dma_wait3A_83 = arith.constant 0 : i32
    %dma_wait3A_84 = tpu.memref_slice %arg4[%dma_wait3A, %dma_wait3A_82, %dma_wait3A_83] : memref<2x256x128xf32, #tpu.memory_space<vmem>> -> memref<1x256x128xf32, #tpu.memory_space<vmem>>
    %dma_wait3A_85 = tpu.memref_squeeze %dma_wait3A_84 : memref<1x256x128xf32, #tpu.memory_space<vmem>> -> memref<256x128xf32, #tpu.memory_space<vmem>>
    %dma_wait3A_86 = arith.constant 0 : i32
    %dma_wait3A_87 = tpu.memref_slice %arg2[%add3A_70, %dma_wait3A_86] : memref<262144x128xf32, #tpu.memory_space<hbm>> -> memref<256x128xf32, #tpu.memory_space<hbm>>
    tpu.wait_dma2 semaphore(%dma_wait3A_81 : memref<!tpu.dma_semaphore, #tpu.memory_space<semaphore_mem>>) src(%dma_wait3A_87 : memref<256x128xf32, #tpu.memory_space<hbm>>) dst(%dma_wait3A_85 : memref<256x128xf32, #tpu.memory_space<vmem>>)
    %dma_start3A_88 = arith.constant 0 : i32
    %dma_start3A_89 = arith.constant 0 : i32
    %dma_start3A_90 = arith.constant 0 : i32
    %dma_start3A_91 = arith.constant 0 : i32
    %dma_start3A_92 = tpu.memref_slice %arg4[%dma_start3A_88, %dma_start3A_90, %dma_start3A_91] : memref<2x256x128xf32, #tpu.memory_space<vmem>> -> memref<1x256x128xf32, #tpu.memory_space<vmem>>
    %dma_start3A_93 = tpu.memref_squeeze %dma_start3A_92 : memref<1x256x128xf32, #tpu.memory_space<vmem>> -> memref<256x128xf32, #tpu.memory_space<vmem>>
    %dma_start3A_94 = arith.constant 0 : i32
    %dma_start3A_95 = tpu.memref_slice %arg3[%add3A_70, %dma_start3A_94] : memref<262144x128xf32, #tpu.memory_space<hbm>> -> memref<256x128xf32, #tpu.memory_space<hbm>>
    %dma_start3A_96 = tpu.memref_slice %arg7[%dma_start3A_89] : memref<2x!tpu.dma_semaphore, #tpu.memory_space<semaphore_mem>> -> memref<1x!tpu.dma_semaphore, #tpu.memory_space<semaphore_mem>>
    %dma_start3A_97 = tpu.memref_squeeze %dma_start3A_96 : memref<1x!tpu.dma_semaphore, #tpu.memory_space<semaphore_mem>> -> memref<!tpu.dma_semaphore, #tpu.memory_space<semaphore_mem>>
    %dma_start3A_98 = arith.constant 0 : i32
    %dma_start3A_99 = tpu.memref_slice %arg3[%add3A_70, %dma_start3A_98] : memref<262144x128xf32, #tpu.memory_space<hbm>> -> memref<256x128xf32, #tpu.memory_space<hbm>>
    %dma_start3A_100 = arith.constant 0 : i32
    %dma_start3A_101 = arith.constant 0 : i32
    %dma_start3A_102 = tpu.memref_slice %arg4[%dma_start3A_88, %dma_start3A_100, %dma_start3A_101] : memref<2x256x128xf32, #tpu.memory_space<vmem>> -> memref<1x256x128xf32, #tpu.memory_space<vmem>>
    %dma_start3A_103 = tpu.memref_squeeze %dma_start3A_102 : memref<1x256x128xf32, #tpu.memory_space<vmem>> -> memref<256x128xf32, #tpu.memory_space<vmem>>
    tpu.enqueue_dma source(%dma_start3A_103 : memref<256x128xf32, #tpu.memory_space<vmem>>) target(%dma_start3A_99 : memref<256x128xf32, #tpu.memory_space<hbm>>) target_semaphore(%dma_start3A_97 : memref<!tpu.dma_semaphore, #tpu.memory_space<semaphore_mem>>)
    %dma_wait3A_104 = arith.constant 0 : i32
    %dma_wait3A_105 = arith.constant 0 : i32
    %dma_wait3A_106 = tpu.memref_slice %arg8[%dma_wait3A_105] : memref<2x!tpu.dma_semaphore, #tpu.memory_space<semaphore_mem>> -> memref<1x!tpu.dma_semaphore, #tpu.memory_space<semaphore_mem>>
    %dma_wait3A_107 = tpu.memref_squeeze %dma_wait3A_106 : memref<1x!tpu.dma_semaphore, #tpu.memory_space<semaphore_mem>> -> memref<!tpu.dma_semaphore, #tpu.memory_space<semaphore_mem>>
    %dma_wait3A_108 = arith.constant 0 : i32
    %dma_wait3A_109 = arith.constant 0 : i32
    %dma_wait3A_110 = tpu.memref_slice %arg5[%arg1, %dma_wait3A_104, %dma_wait3A_108, %dma_wait3A_109] : memref<16x2x256x128xf32, #tpu.memory_space<vmem_shared>> -> memref<1x1x256x128xf32, #tpu.memory_space<vmem_shared>>
    %dma_wait3A_111 = tpu.memref_squeeze %dma_wait3A_110 : memref<1x1x256x128xf32, #tpu.memory_space<vmem_shared>> -> memref<256x128xf32, #tpu.memory_space<vmem_shared>>
    %dma_wait3A_112 = arith.constant 0 : i32
    %dma_wait3A_113 = tpu.memref_slice %arg2[%add3A_72, %dma_wait3A_112] : memref<262144x128xf32, #tpu.memory_space<hbm>> -> memref<256x128xf32, #tpu.memory_space<hbm>>
    tpu.wait_dma2 semaphore(%dma_wait3A_107 : memref<!tpu.dma_semaphore, #tpu.memory_space<semaphore_mem>>) src(%dma_wait3A_113 : memref<256x128xf32, #tpu.memory_space<hbm>>) dst(%dma_wait3A_111 : memref<256x128xf32, #tpu.memory_space<vmem_shared>>)
    %dma_start3A_114 = arith.constant 0 : i32
    %dma_start3A_115 = arith.constant 0 : i32
    %dma_start3A_116 = tpu.memref_slice %arg9[%dma_start3A_115] : memref<2x!tpu.dma_semaphore, #tpu.memory_space<semaphore_mem>> -> memref<1x!tpu.dma_semaphore, #tpu.memory_space<semaphore_mem>>
    %dma_start3A_117 = tpu.memref_squeeze %dma_start3A_116 : memref<1x!tpu.dma_semaphore, #tpu.memory_space<semaphore_mem>> -> memref<!tpu.dma_semaphore, #tpu.memory_space<semaphore_mem>>
    %dma_start3A_118 = arith.constant 0 : i32
    %dma_start3A_119 = tpu.memref_slice %arg3[%add3A_72, %dma_start3A_118] : memref<262144x128xf32, #tpu.memory_space<hbm>> -> memref<256x128xf32, #tpu.memory_space<hbm>>
    %dma_start3A_120 = arith.constant 0 : i32
    %dma_start3A_121 = arith.constant 0 : i32
    %dma_start3A_122 = tpu.memref_slice %arg5[%arg1, %dma_start3A_114, %dma_start3A_120, %dma_start3A_121] : memref<16x2x256x128xf32, #tpu.memory_space<vmem_shared>> -> memref<1x1x256x128xf32, #tpu.memory_space<vmem_shared>>
    %dma_start3A_123 = tpu.memref_squeeze %dma_start3A_122 : memref<1x1x256x128xf32, #tpu.memory_space<vmem_shared>> -> memref<256x128xf32, #tpu.memory_space<vmem_shared>>
    tpu.enqueue_dma source(%dma_start3A_123 : memref<256x128xf32, #tpu.memory_space<vmem_shared>>) target(%dma_start3A_119 : memref<256x128xf32, #tpu.memory_space<hbm>>) target_semaphore(%dma_start3A_117 : memref<!tpu.dma_semaphore, #tpu.memory_space<semaphore_mem>>)
    %dma_wait3A_124 = arith.constant 0 : i32
    %dma_wait3A_125 = arith.constant 0 : i32
    %dma_wait3A_126 = arith.constant 0 : i32
    %dma_wait3A_127 = arith.constant 0 : i32
    %dma_wait3A_128 = tpu.memref_slice %arg4[%dma_wait3A_124, %dma_wait3A_126, %dma_wait3A_127] : memref<2x256x128xf32, #tpu.memory_space<vmem>> -> memref<1x256x128xf32, #tpu.memory_space<vmem>>
    %dma_wait3A_129 = tpu.memref_squeeze %dma_wait3A_128 : memref<1x256x128xf32, #tpu.memory_space<vmem>> -> memref<256x128xf32, #tpu.memory_space<vmem>>
    %dma_wait3A_130 = arith.constant 0 : i32
    %dma_wait3A_131 = tpu.memref_slice %arg3[%add3A_70, %dma_wait3A_130] : memref<262144x128xf32, #tpu.memory_space<hbm>> -> memref<256x128xf32, #tpu.memory_space<hbm>>
    %dma_wait3A_132 = tpu.memref_slice %arg7[%dma_wait3A_125] : memref<2x!tpu.dma_semaphore, #tpu.memory_space<semaphore_mem>> -> memref<1x!tpu.dma_semaphore, #tpu.memory_space<semaphore_mem>>
    %dma_wait3A_133 = tpu.memref_squeeze %dma_wait3A_132 : memref<1x!tpu.dma_semaphore, #tpu.memory_space<semaphore_mem>> -> memref<!tpu.dma_semaphore, #tpu.memory_space<semaphore_mem>>
    %dma_wait3A_134 = arith.constant 0 : i32
    %dma_wait3A_135 = tpu.memref_slice %arg3[%add3A_70, %dma_wait3A_134] : memref<262144x128xf32, #tpu.memory_space<hbm>> -> memref<256x128xf32, #tpu.memory_space<hbm>>
    %dma_wait3A_136 = arith.constant 0 : i32
    %dma_wait3A_137 = arith.constant 0 : i32
    %dma_wait3A_138 = tpu.memref_slice %arg4[%dma_wait3A_124, %dma_wait3A_136, %dma_wait3A_137] : memref<2x256x128xf32, #tpu.memory_space<vmem>> -> memref<1x256x128xf32, #tpu.memory_space<vmem>>
    %dma_wait3A_139 = tpu.memref_squeeze %dma_wait3A_138 : memref<1x256x128xf32, #tpu.memory_space<vmem>> -> memref<256x128xf32, #tpu.memory_space<vmem>>
    tpu.wait_dma2 semaphore(%dma_wait3A_133 : memref<!tpu.dma_semaphore, #tpu.memory_space<semaphore_mem>>) src(%dma_wait3A_139 : memref<256x128xf32, #tpu.memory_space<vmem>>) dst(%dma_wait3A_135 : memref<256x128xf32, #tpu.memory_space<hbm>>)
    %dma_wait3A_140 = arith.constant 0 : i32
    %dma_wait3A_141 = arith.constant 0 : i32
    %dma_wait3A_142 = tpu.memref_slice %arg9[%dma_wait3A_141] : memref<2x!tpu.dma_semaphore, #tpu.memory_space<semaphore_mem>> -> memref<1x!tpu.dma_semaphore, #tpu.memory_space<semaphore_mem>>
    %dma_wait3A_143 = tpu.memref_squeeze %dma_wait3A_142 : memref<1x!tpu.dma_semaphore, #tpu.memory_space<semaphore_mem>> -> memref<!tpu.dma_semaphore, #tpu.memory_space<semaphore_mem>>
    %dma_wait3A_144 = arith.constant 0 : i32
    %dma_wait3A_145 = tpu.memref_slice %arg3[%add3A_72, %dma_wait3A_144] : memref<262144x128xf32, #tpu.memory_space<hbm>> -> memref<256x128xf32, #tpu.memory_space<hbm>>
    %dma_wait3A_146 = arith.constant 0 : i32
    %dma_wait3A_147 = arith.constant 0 : i32
    %dma_wait3A_148 = tpu.memref_slice %arg5[%arg1, %dma_wait3A_140, %dma_wait3A_146, %dma_wait3A_147] : memref<16x2x256x128xf32, #tpu.memory_space<vmem_shared>> -> memref<1x1x256x128xf32, #tpu.memory_space<vmem_shared>>
    %dma_wait3A_149 = tpu.memref_squeeze %dma_wait3A_148 : memref<1x1x256x128xf32, #tpu.memory_space<vmem_shared>> -> memref<256x128xf32, #tpu.memory_space<vmem_shared>>
    tpu.wait_dma2 semaphore(%dma_wait3A_143 : memref<!tpu.dma_semaphore, #tpu.memory_space<semaphore_mem>>) src(%dma_wait3A_149 : memref<256x128xf32, #tpu.memory_space<vmem_shared>>) dst(%dma_wait3A_145 : memref<256x128xf32, #tpu.memory_space<hbm>>)
    %add3A_150 = arith.constant 3840 : i32
    %add3A_151 = arith.addi %mul3A_2, %add3A_150 : i32
    %add3A_152 = arith.constant 3840 : i32
    %add3A_153 = arith.addi %add3A_4, %add3A_152 : i32
    %dma_wait3A_154 = arith.constant 1 : i32
    %dma_wait3A_155 = arith.constant 1 : i32
    %dma_wait3A_156 = arith.constant 0 : i32
    %dma_wait3A_157 = arith.constant 0 : i32
    %dma_wait3A_158 = tpu.memref_slice %arg4[%dma_wait3A_154, %dma_wait3A_156, %dma_wait3A_157] : memref<2x256x128xf32, #tpu.memory_space<vmem>> -> memref<1x256x128xf32, #tpu.memory_space<vmem>>
    %dma_wait3A_159 = tpu.memref_squeeze %dma_wait3A_158 : memref<1x256x128xf32, #tpu.memory_space<vmem>> -> memref<256x128xf32, #tpu.memory_space<vmem>>
    %dma_wait3A_160 = arith.constant 0 : i32
    %dma_wait3A_161 = tpu.memref_slice %arg2[%add3A_151, %dma_wait3A_160] : memref<262144x128xf32, #tpu.memory_space<hbm>> -> memref<256x128xf32, #tpu.memory_space<hbm>>
    %dma_wait3A_162 = tpu.memref_slice %arg6[%dma_wait3A_155] : memref<2x!tpu.dma_semaphore, #tpu.memory_space<semaphore_mem>> -> memref<1x!tpu.dma_semaphore, #tpu.memory_space<semaphore_mem>>
    %dma_wait3A_163 = tpu.memref_squeeze %dma_wait3A_162 : memref<1x!tpu.dma_semaphore, #tpu.memory_space<semaphore_mem>> -> memref<!tpu.dma_semaphore, #tpu.memory_space<semaphore_mem>>
    %dma_wait3A_164 = arith.constant 0 : i32
    %dma_wait3A_165 = arith.constant 0 : i32
    %dma_wait3A_166 = tpu.memref_slice %arg4[%dma_wait3A_154, %dma_wait3A_164, %dma_wait3A_165] : memref<2x256x128xf32, #tpu.memory_space<vmem>> -> memref<1x256x128xf32, #tpu.memory_space<vmem>>
    %dma_wait3A_167 = tpu.memref_squeeze %dma_wait3A_166 : memref<1x256x128xf32, #tpu.memory_space<vmem>> -> memref<256x128xf32, #tpu.memory_space<vmem>>
    %dma_wait3A_168 = arith.constant 0 : i32
    %dma_wait3A_169 = tpu.memref_slice %arg2[%add3A_151, %dma_wait3A_168] : memref<262144x128xf32, #tpu.memory_space<hbm>> -> memref<256x128xf32, #tpu.memory_space<hbm>>
    tpu.wait_dma2 semaphore(%dma_wait3A_163 : memref<!tpu.dma_semaphore, #tpu.memory_space<semaphore_mem>>) src(%dma_wait3A_169 : memref<256x128xf32, #tpu.memory_space<hbm>>) dst(%dma_wait3A_167 : memref<256x128xf32, #tpu.memory_space<vmem>>)
    %dma_start3A_170 = arith.constant 1 : i32
    %dma_start3A_171 = arith.constant 1 : i32
    %dma_start3A_172 = arith.constant 0 : i32
    %dma_start3A_173 = arith.constant 0 : i32
    %dma_start3A_174 = tpu.memref_slice %arg4[%dma_start3A_170, %dma_start3A_172, %dma_start3A_173] : memref<2x256x128xf32, #tpu.memory_space<vmem>> -> memref<1x256x128xf32, #tpu.memory_space<vmem>>
    %dma_start3A_175 = tpu.memref_squeeze %dma_start3A_174 : memref<1x256x128xf32, #tpu.memory_space<vmem>> -> memref<256x128xf32, #tpu.memory_space<vmem>>
    %dma_start3A_176 = arith.constant 0 : i32
    %dma_start3A_177 = tpu.memref_slice %arg3[%add3A_151, %dma_start3A_176] : memref<262144x128xf32, #tpu.memory_space<hbm>> -> memref<256x128xf32, #tpu.memory_space<hbm>>
    %dma_start3A_178 = tpu.memref_slice %arg7[%dma_start3A_171] : memref<2x!tpu.dma_semaphore, #tpu.memory_space<semaphore_mem>> -> memref<1x!tpu.dma_semaphore, #tpu.memory_space<semaphore_mem>>
    %dma_start3A_179 = tpu.memref_squeeze %dma_start3A_178 : memref<1x!tpu.dma_semaphore, #tpu.memory_space<semaphore_mem>> -> memref<!tpu.dma_semaphore, #tpu.memory_space<semaphore_mem>>
    %dma_start3A_180 = arith.constant 0 : i32
    %dma_start3A_181 = tpu.memref_slice %arg3[%add3A_151, %dma_start3A_180] : memref<262144x128xf32, #tpu.memory_space<hbm>> -> memref<256x128xf32, #tpu.memory_space<hbm>>
    %dma_start3A_182 = arith.constant 0 : i32
    %dma_start3A_183 = arith.constant 0 : i32
    %dma_start3A_184 = tpu.memref_slice %arg4[%dma_start3A_170, %dma_start3A_182, %dma_start3A_183] : memref<2x256x128xf32, #tpu.memory_space<vmem>> -> memref<1x256x128xf32, #tpu.memory_space<vmem>>
    %dma_start3A_185 = tpu.memref_squeeze %dma_start3A_184 : memref<1x256x128xf32, #tpu.memory_space<vmem>> -> memref<256x128xf32, #tpu.memory_space<vmem>>
    tpu.enqueue_dma source(%dma_start3A_185 : memref<256x128xf32, #tpu.memory_space<vmem>>) target(%dma_start3A_181 : memref<256x128xf32, #tpu.memory_space<hbm>>) target_semaphore(%dma_start3A_179 : memref<!tpu.dma_semaphore, #tpu.memory_space<semaphore_mem>>)
    %dma_wait3A_186 = arith.constant 1 : i32
    %dma_wait3A_187 = arith.constant 1 : i32
    %dma_wait3A_188 = tpu.memref_slice %arg8[%dma_wait3A_187] : memref<2x!tpu.dma_semaphore, #tpu.memory_space<semaphore_mem>> -> memref<1x!tpu.dma_semaphore, #tpu.memory_space<semaphore_mem>>
    %dma_wait3A_189 = tpu.memref_squeeze %dma_wait3A_188 : memref<1x!tpu.dma_semaphore, #tpu.memory_space<semaphore_mem>> -> memref<!tpu.dma_semaphore, #tpu.memory_space<semaphore_mem>>
    %dma_wait3A_190 = arith.constant 0 : i32
    %dma_wait3A_191 = arith.constant 0 : i32
    %dma_wait3A_192 = tpu.memref_slice %arg5[%arg1, %dma_wait3A_186, %dma_wait3A_190, %dma_wait3A_191] : memref<16x2x256x128xf32, #tpu.memory_space<vmem_shared>> -> memref<1x1x256x128xf32, #tpu.memory_space<vmem_shared>>
    %dma_wait3A_193 = tpu.memref_squeeze %dma_wait3A_192 : memref<1x1x256x128xf32, #tpu.memory_space<vmem_shared>> -> memref<256x128xf32, #tpu.memory_space<vmem_shared>>
    %dma_wait3A_194 = arith.constant 0 : i32
    %dma_wait3A_195 = tpu.memref_slice %arg2[%add3A_153, %dma_wait3A_194] : memref<262144x128xf32, #tpu.memory_space<hbm>> -> memref<256x128xf32, #tpu.memory_space<hbm>>
    tpu.wait_dma2 semaphore(%dma_wait3A_189 : memref<!tpu.dma_semaphore, #tpu.memory_space<semaphore_mem>>) src(%dma_wait3A_195 : memref<256x128xf32, #tpu.memory_space<hbm>>) dst(%dma_wait3A_193 : memref<256x128xf32, #tpu.memory_space<vmem_shared>>)
    %dma_start3A_196 = arith.constant 1 : i32
    %dma_start3A_197 = arith.constant 1 : i32
    %dma_start3A_198 = tpu.memref_slice %arg9[%dma_start3A_197] : memref<2x!tpu.dma_semaphore, #tpu.memory_space<semaphore_mem>> -> memref<1x!tpu.dma_semaphore, #tpu.memory_space<semaphore_mem>>
    %dma_start3A_199 = tpu.memref_squeeze %dma_start3A_198 : memref<1x!tpu.dma_semaphore, #tpu.memory_space<semaphore_mem>> -> memref<!tpu.dma_semaphore, #tpu.memory_space<semaphore_mem>>
    %dma_start3A_200 = arith.constant 0 : i32
    %dma_start3A_201 = tpu.memref_slice %arg3[%add3A_153, %dma_start3A_200] : memref<262144x128xf32, #tpu.memory_space<hbm>> -> memref<256x128xf32, #tpu.memory_space<hbm>>
    %dma_start3A_202 = arith.constant 0 : i32
    %dma_start3A_203 = arith.constant 0 : i32
    %dma_start3A_204 = tpu.memref_slice %arg5[%arg1, %dma_start3A_196, %dma_start3A_202, %dma_start3A_203] : memref<16x2x256x128xf32, #tpu.memory_space<vmem_shared>> -> memref<1x1x256x128xf32, #tpu.memory_space<vmem_shared>>
    %dma_start3A_205 = tpu.memref_squeeze %dma_start3A_204 : memref<1x1x256x128xf32, #tpu.memory_space<vmem_shared>> -> memref<256x128xf32, #tpu.memory_space<vmem_shared>>
    tpu.enqueue_dma source(%dma_start3A_205 : memref<256x128xf32, #tpu.memory_space<vmem_shared>>) target(%dma_start3A_201 : memref<256x128xf32, #tpu.memory_space<hbm>>) target_semaphore(%dma_start3A_199 : memref<!tpu.dma_semaphore, #tpu.memory_space<semaphore_mem>>)
    %dma_wait3A_206 = arith.constant 1 : i32
    %dma_wait3A_207 = arith.constant 1 : i32
    %dma_wait3A_208 = arith.constant 0 : i32
    %dma_wait3A_209 = arith.constant 0 : i32
    %dma_wait3A_210 = tpu.memref_slice %arg4[%dma_wait3A_206, %dma_wait3A_208, %dma_wait3A_209] : memref<2x256x128xf32, #tpu.memory_space<vmem>> -> memref<1x256x128xf32, #tpu.memory_space<vmem>>
    %dma_wait3A_211 = tpu.memref_squeeze %dma_wait3A_210 : memref<1x256x128xf32, #tpu.memory_space<vmem>> -> memref<256x128xf32, #tpu.memory_space<vmem>>
    %dma_wait3A_212 = arith.constant 0 : i32
    %dma_wait3A_213 = tpu.memref_slice %arg3[%add3A_151, %dma_wait3A_212] : memref<262144x128xf32, #tpu.memory_space<hbm>> -> memref<256x128xf32, #tpu.memory_space<hbm>>
    %dma_wait3A_214 = tpu.memref_slice %arg7[%dma_wait3A_207] : memref<2x!tpu.dma_semaphore, #tpu.memory_space<semaphore_mem>> -> memref<1x!tpu.dma_semaphore, #tpu.memory_space<semaphore_mem>>
    %dma_wait3A_215 = tpu.memref_squeeze %dma_wait3A_214 : memref<1x!tpu.dma_semaphore, #tpu.memory_space<semaphore_mem>> -> memref<!tpu.dma_semaphore, #tpu.memory_space<semaphore_mem>>
    %dma_wait3A_216 = arith.constant 0 : i32
    %dma_wait3A_217 = tpu.memref_slice %arg3[%add3A_151, %dma_wait3A_216] : memref<262144x128xf32, #tpu.memory_space<hbm>> -> memref<256x128xf32, #tpu.memory_space<hbm>>
    %dma_wait3A_218 = arith.constant 0 : i32
    %dma_wait3A_219 = arith.constant 0 : i32
    %dma_wait3A_220 = tpu.memref_slice %arg4[%dma_wait3A_206, %dma_wait3A_218, %dma_wait3A_219] : memref<2x256x128xf32, #tpu.memory_space<vmem>> -> memref<1x256x128xf32, #tpu.memory_space<vmem>>
    %dma_wait3A_221 = tpu.memref_squeeze %dma_wait3A_220 : memref<1x256x128xf32, #tpu.memory_space<vmem>> -> memref<256x128xf32, #tpu.memory_space<vmem>>
    tpu.wait_dma2 semaphore(%dma_wait3A_215 : memref<!tpu.dma_semaphore, #tpu.memory_space<semaphore_mem>>) src(%dma_wait3A_221 : memref<256x128xf32, #tpu.memory_space<vmem>>) dst(%dma_wait3A_217 : memref<256x128xf32, #tpu.memory_space<hbm>>)
    %dma_wait3A_222 = arith.constant 1 : i32
    %dma_wait3A_223 = arith.constant 1 : i32
    %dma_wait3A_224 = tpu.memref_slice %arg9[%dma_wait3A_223] : memref<2x!tpu.dma_semaphore, #tpu.memory_space<semaphore_mem>> -> memref<1x!tpu.dma_semaphore, #tpu.memory_space<semaphore_mem>>
    %dma_wait3A_225 = tpu.memref_squeeze %dma_wait3A_224 : memref<1x!tpu.dma_semaphore, #tpu.memory_space<semaphore_mem>> -> memref<!tpu.dma_semaphore, #tpu.memory_space<semaphore_mem>>
    %dma_wait3A_226 = arith.constant 0 : i32
    %dma_wait3A_227 = tpu.memref_slice %arg3[%add3A_153, %dma_wait3A_226] : memref<262144x128xf32, #tpu.memory_space<hbm>> -> memref<256x128xf32, #tpu.memory_space<hbm>>
    %dma_wait3A_228 = arith.constant 0 : i32
    %dma_wait3A_229 = arith.constant 0 : i32
    %dma_wait3A_230 = tpu.memref_slice %arg5[%arg1, %dma_wait3A_222, %dma_wait3A_228, %dma_wait3A_229] : memref<16x2x256x128xf32, #tpu.memory_space<vmem_shared>> -> memref<1x1x256x128xf32, #tpu.memory_space<vmem_shared>>
    %dma_wait3A_231 = tpu.memref_squeeze %dma_wait3A_230 : memref<1x1x256x128xf32, #tpu.memory_space<vmem_shared>> -> memref<256x128xf32, #tpu.memory_space<vmem_shared>>
    tpu.wait_dma2 semaphore(%dma_wait3A_225 : memref<!tpu.dma_semaphore, #tpu.memory_space<semaphore_mem>>) src(%dma_wait3A_231 : memref<256x128xf32, #tpu.memory_space<vmem_shared>>) dst(%dma_wait3A_227 : memref<256x128xf32, #tpu.memory_space<hbm>>)
    return
  }
}

</mosaic_0001>

<sc_bundles>
// kernel: kernel.3.cloned.1.call-start
scs
__scs_entry_jumppad:
0x0: {  	(pc) =	sbr.rel $0x88, $3  }
0x1: {  	(tag) =	ssettag $0x0;
	lr =	simm.s32 $0x1  }
0x2: {  	[smem:$0x3FA0] =	sst lr;
	_ =	strace $0xD0000000  }
0x3: {  	_ = 	snop  }
0x4: {  	_ = 	snop  }
0x5: {  	_ = 	snop  }
0x6: {  	_ = 	snop  }
0x7: {  	_ = 	snop  }
__scs_overlays_trampoline_lowered:
0x8: {  	[smem:$0x3FAF] =	sst s0  }
0x9: {  	[smem:$0x3FB0] =	sst s1  }
0xa: {  	[smem:$0x3FB1] =	sst s2  }
0xb: {  	[smem:$0x3FB2] =	sst s3  }
0xc: {  	[smem:$0x3FB3] =	sst s4  }
0xd: {  	[smem:$0x3FB4] =	sst s5  }
0xe: {  	[smem:$0x3FB5] =	sst s6  }
0xf: {  	[smem:$0x3FB6] =	sst s7  }
0x10: {  	[smem:$0x3FB7] =	sst s8  }
0x11: {  	[smem:$0x3FB8] =	sst s9;
	s0 =	simm.s32 @!p0 $0x0  }
0x12: {  	s1 =	sld [smem:$0x3F9E];
	s0 =	simm.s32 @p0 $0x1  }
0x13: {  	[smem:$0x3FB9] =	sst s0;
	s0 =	simm.s32 @!p1 $0x0  }
0x14: {  	s2 =	sld [smem:$0x3F9D];
	s0 =	simm.s32 @p1 $0x1  }
0x15: {  	[smem:$0x3FBA] =	sst s0;
	s0 =	simm.s32 @!p2 $0x0  }
0x16: {  	s3 =	sld [smem:$0x3FDB];
	s0 =	simm.s32 @p2 $0x1  }
0x17: {  	s4 =	simm.s32 $0x1BF5;
	[smem:$0x3FBC] =	sst s0  }
0x18: {  	s0 =	sld [smem:$0x3F9F];
	_ =	swait.ge [sflag:s4], $0x0  }
0x19: {  	s7 =	sld [smem:$0x3FA0]  }
0x1a: {  	s8 =	sadd.s32 $0xFFFFE003, lr  }
0x1b: {  	s9 =	sadd.s32 $0xFFFFFEF7, lr;
	s5 =	simm.s32 $0xFFFFFFFF;
	p2 =	slt.u32 s8, $0xFFFFF086  }
0x1c: {  	p1 =	slt.u32 s9, $0xF7A;
	s5 =	simm.s32 @!p2 $0x0  }
0x1d: {  	s5 =	simm.s32 @p1 $0x1;
	p0 =	seq.s32 s7, s2  }
0x1e: {  	s7 =	smul.u32 @!p0 $0xF7A, s2;
	p2 =	seq.s32 @!p0 s5, $0x0  }
0x1f: {  	s9 =	smul.u32 $0xF7A, s1;
	s8 =	simm.s32 @!p0 $0x1BF5;
	p2 =	por !p2, p0  }
0x20: {  	[sflag:s8] =	ssyncset.s32 @!p0 $0xFFFFF086;
	s6 =	sadd.s32 @!p0 s3, s7;
	s7 =	simm.s32 @!p0 $0x108  }
0x21: {  	s3 =	sadd.s32 s3, s9;
	s6 =	sadd.s32 @!p0 $0x88, s6;
	s7 =	simm.s32 @p2 $0x1082  }
0x22: {  	[simem:s7], [sflag:s8] =	dma.local @!p0 [hbm:s6], $0xF7A  }
0x23: {  	s9 =	sor.u32 $0xD0000000, s2;
	s6 =	simm.s32 $0x108;
	_ =	swait.ge @!p0 [sflag:s8], $0x0  }
0x24: {  	s3 =	sadd.s32 $0x88, s3;
	s6 =	simm.s32 @!p1 $0x1082;
	[sflag:s4] =	ssyncset.s32 $0xFFFFF086  }
0x25: {  	[simem:s6], [sflag:s4] =	dma.local [hbm:s3], $0xF7A  }
0x26: {  	[smem:$0x3FA0] =	sst s1;
	(tag) =	ssettag s2;
	_ =	strace s9  }
0x27: {  	s1 =	sld [smem:$0x3FB0]  }
0x28: {  	s2 =	sld [smem:$0x3FB1]  }
0x29: {  	s4 =	sld [smem:$0x3FB3]  }
0x2a: {  	p0 =	seq.s32 s5, $0x0;
	s5 =	sld [smem:$0x3FB4]  }
0x2b: {  	s6 =	sld [smem:$0x3FB5]  }
0x2c: {  	s7 =	sld [smem:$0x3FB6]  }
0x2d: {  	s3 =	simm.s32 $0x108;
	s8 =	sld [smem:$0x3FB7]  }
0x2e: {  	s3 =	simm.s32 @!p0 $0x1082;
	s9 =	sld [smem:$0x3FB8]  }
0x2f: {  	lr =	sadd.s32 s0, s3;
	s0 =	sld [smem:$0x3FAF]  }
0x30: {  	s3 =	sld [smem:$0x3FB2]  }
0x31: {  	[smem:$0x3FBB] =	sst s10  }
0x32: {  	s10 =	sld [smem:$0x3FB9];
	_ =	sdelay $0x3  }
0x33: {  	p0 =	seq.s32 s10, $0x1;
	s10 =	sld [smem:$0x3FBB];
	_ =	sdelay $0x3  }
0x34: {  	[smem:$0x3FBB] =	sst s10  }
0x35: {  	s10 =	sld [smem:$0x3FBA];
	_ =	sdelay $0x3  }
0x36: {  	p1 =	seq.s32 s10, $0x1;
	s10 =	sld [smem:$0x3FBB];
	_ =	sdelay $0x3  }
0x37: {  	[smem:$0x3FBB] =	sst s10  }
0x38: {  	s10 =	sld [smem:$0x3FBC]  }
0x39: {  	_ = 	snop;
	(pc) =	sbr.ind lr, $3  }
0x3a: {  	_ = 	snop  }
0x3b: {  	_ = 	snop  }
0x3c: {  	p2 =	seq.s32 s10, $0x1;
	s10 =	sld [smem:$0x3FBB]  }
0x3d: {  	_ =	shalt  }
0x3e: {  	_ =	shalt  }
0x3f: {  	_ =	shalt  }
0x40: {  	_ =	shalt  }
0x41: {  	_ =	shalt  }
0x42: {  	_ =	shalt  }
0x43: {  	_ =	shalt  }
0x44: {  	_ =	shalt  }
0x45: {  	_ =	shalt  }
0x46: {  	_ =	shalt  }
0x47: {  	_ =	shalt  }
0x48: {  	_ =	shalt  }
0x49: {  	_ =	shalt  }
0x4a: {  	_ =	shalt  }
0x4b: {  	_ =	shalt  }
0x4c: {  	_ =	shalt  }
0x4d: {  	_ =	shalt  }
0x4e: {  	_ =	shalt  }
0x4f: {  	_ =	shalt  }
0x50: {  	_ =	shalt  }
0x51: {  	_ =	shalt  }
0x52: {  	_ =	shalt  }
0x53: {  	_ =	shalt  }
0x54: {  	_ =	shalt  }
0x55: {  	_ =	shalt  }
0x56: {  	_ =	shalt  }
0x57: {  	_ =	shalt  }
0x58: {  	_ =	shalt  }
0x59: {  	_ =	shalt  }
0x5a: {  	_ =	shalt  }
0x5b: {  	_ =	shalt  }
0x5c: {  	_ =	shalt  }
0x5d: {  	_ =	shalt  }
0x5e: {  	_ =	shalt  }
0x5f: {  	_ =	shalt  }
0x60: {  	_ =	shalt  }
0x61: {  	_ =	shalt  }
0x62: {  	_ =	shalt  }
0x63: {  	_ =	shalt  }
0x64: {  	_ =	shalt  }
0x65: {  	_ =	shalt  }
0x66: {  	_ =	shalt  }
0x67: {  	_ =	shalt  }
0x68: {  	_ =	shalt  }
0x69: {  	_ =	shalt  }
0x6a: {  	_ =	shalt  }
0x6b: {  	_ =	shalt  }
0x6c: {  	_ =	shalt  }
0x6d: {  	_ =	shalt  }
0x6e: {  	_ =	shalt  }
0x6f: {  	_ =	shalt  }
0x70: {  	_ =	shalt  }
0x71: {  	_ =	shalt  }
0x72: {  	_ =	shalt  }
0x73: {  	_ =	shalt  }
0x74: {  	_ =	shalt  }
0x75: {  	_ =	shalt  }
0x76: {  	_ =	shalt  }
0x77: {  	_ =	shalt  }
0x78: {  	_ =	shalt  }
0x79: {  	_ =	shalt  }
0x7a: {  	_ =	shalt  }
0x7b: {  	_ =	shalt  }
0x7c: {  	_ =	shalt  }
0x7d: {  	_ =	shalt  }
0x7e: {  	_ =	shalt  }
0x7f: {  	_ =	shalt  }
0x80: {  	_ =	shalt  }
0x81: {  	_ =	shalt  }
0x82: {  	_ =	shalt  }
0x83: {  	_ =	shalt  }
0x84: {  	_ =	shalt  }
0x85: {  	_ =	shalt  }
0x86: {  	_ =	shalt  }
0x87: {  	_ =	shalt  }
.Lfunc_end0:
.L_simem_size_0:
called_computation_lowered:
.L_overlay_start_0:
0x88: {  	s2 =	sld [smem:$0x3FD9]  }
0x89: {  	s3 =	sld [smem:$0x3FFE];
	_ =	sdelay $0x1  }
0x8a: {  	s1 =	srdreg.scid  }
0x8b: {  	s0 =	sand.u32 $0x1, s1  }
0x8c: {  	s18 =	sshll.u32 s0, $0xA;
	s2 =	sadd.s32 s3, s2  }
0x8d: {  	s2 =	sadd.s32 s2, s18  }
0x8e: {  	[smem:$0x3FC7] =	sst s2  }
0x8f: {  	_ = 	snop  }
0x90: {  	s2 =	sld [smem:$0x3FC9]  }
0x91: {  	s19 =	sld [smem:$0x3FD0];
	(tm) =	ssettm $0x1  }
0x92: {  	s4 =	sld [smem:$0x3FFB];
	_ =	sdelay $0x3  }
0x93: {  	_ =	strace s4  }
0x94: {  	s4 =	sld [smem:$0x3FFC];
	_ =	sdelay $0x3  }
0x95: {  	_ =	strace s4  }
0x96: {  	s4 =	sld [smem:$0x3FFD];
	_ =	sdelay $0x3  }
0x97: {  	_ =	strace s4  }
0x98: {  	_ =	strace $0x8FFFFFFF  }
0x99: {  	s20 =	sld [smem:$0x3FDB];
	_ =	sdelay $0x1  }
0x9a: {  	s5 =	simm.s32 $_scs_section_size  }
0x9b: {  	s6 =	simm.s32 $_size__tile_overlayer_lowered;
	s7 =	simm.s32 $_tile_overlayer_lowered  }
0x9c: {  	s23 =	simm.s32 $0x1BFF;
	s22 =	sshll.u32 s7, $0x1;
	s4 =	sadd.s32 s5, s20  }
0x9d: {  	s8 =	simm.s32 $0x0;
	s21 =	sshll.u32 s6, $0x1;
	s6 =	sadd.s32 s22, s4  }
0x9e: {  	[timem:s8], [sflag:s23] =	dma.local [hbm:s6], s21  }
0x9f: {  	_ =	swait.ge [sflag:s23], s21  }
0xa0: {  	s5 =	ssub.s32 $0x0, s21;
	[sflag:s23] =	ssyncset.done $0x0  }
0xa1: {  	[sflag:s23] =	ssyncadd.s32 s5;
	_ =	sdelay $0x1  }
0xa2: {  	s24 =	simm.s32 $0x1B8B  }
0xa3: {  	_ =	swait.ge [sflag:s24], $0x1  }
0xa4: {  	[sflag:s24] =	ssyncset.done $0x0  }
0xa5: {  	s25 =	simm.s32 $0x1B8E;
	[sflag:s24] =	ssyncadd.s32 $0xFFFFFFFF  }
0xa6: {  	s26 =	simm.s32 $execute0_lowered;
	[smem:$0x3FD2] =	sst s25  }
0xa7: {  	s5 =	sshll.u32 s26, $0x1;
	_ =	strace $0x80000046;
	[dreg:$0x1] =	wrdreg $0xFFFFFFFF  }
0xa8: {  	s28 =	simm.s32 $_size_execute0_lowered;
	s4 =	sadd.s32 s4, s5;
	[dreg:$0x0] =	wrdreg $0x0  }
0xa9: {  	s5 =	sshll.u32 s28, $0x1;
	[dreg:$0x2] =	wrdreg s4  }
0xaa: {  	[dreg:$0x3] =	wrdreg s5  }
0xab: {  	[dreg:$0x4] =	wrdreg $0xC0  }
0xac: {  	_ =	task [dreg:s8], $0x5FFFF  }
0xad: {  	[dreg:$0x1] =	wrdreg $0xFFFFFFFF  }
0xae: {  	[dreg:$0x0] =	wrdreg $0x60  }
0xaf: {  	[dreg:$0x2] =	wrdreg s2  }
0xb0: {  	[dreg:$0x3] =	wrdreg s19  }
0xb1: {  	[dreg:$0x4] =	wrdreg $0x100000  }
0xb2: {  	[dreg:$0x5] =	wrdreg $0x9  }
0xb3: {  	_ =	task.clear_ibuf [dreg:s8], $0x6FFFF;
	_ =	strace $0x90000046  }
0xb4: {  	s29 =	simm.s32 $0x9;
	_ =	strace $0x80000048  }
0xb5: {  	_ =	swait.ge [sflag:s29], $0x1  }
0xb6: {  	[sflag:s29] =	ssyncadd.s32 $0xFFFFFFFF  }
0xb7: {  	_ =	strace $0x90000048  }
0xb8: {  	_ =	sfence  }
0xb9: {  	s30 =	sld [smem:$0x0];
	_ =	sdelay $0x2  }
0xba: {  	s31 =	sshll.u32 s1, $0xD;
	s1 =	sshrl.u32 s1, $0x2  }
0xbb: {  	s3 =	sand.u32 $0x4000, s31;
	s1 =	sadd.s32 s1, s30  }
0xbc: {  	s0 =	sor.u32 s3, s0;
	s1 =	sshll.u32 s1, $0x11  }
0xbd: {  	s0 =	sor.u32 s1, s0  }
0xbe: {  	s0 =	sadd.s32 $0x8F2B, s0  }
0xbf: {  	[sflag:s0] =	ssyncadd.remote.s32 $0x1  }
0xc0: {  	_ =	sfence.sel $0xFFFF  }
0xc1: {  	[dreg:$0x0] =	wrdreg $0xFFFFFFFF;
	(pc) =	sbr.abs _section_cstart, $3  }
0xc2: {  	[dreg:$0x1] =	wrdreg $0xFFFFFFFF  }
0xc3: {  	_ =	task.clear_ibuf [dreg:s8], $0x2FFFF;
	_ =	strace $0x9FFFFFFF  }
0xc4: {  	(tm) =	ssettm $0x7FFFFFFF  }
0xc5: {  	_ =	shalt  }
tec
execute0_lowered:
.L_overlay_start_1:
0x0: {  	(tag) =	ssettag $0x1  }
0x1: {  	s0 =	rddreg [dreg:$0x0]  }
0x2: {  	s1 =	rddreg [dreg:$0x1]  }
0x3: {  	s4 =	rddreg [dreg:$0x2];
	s2 =	simm.s32 $0x0  }
0x4: {  	s3 =	srdreg.scid;
	s6 =	stileid.u32;
	s17 =	simm.s32 $0x8000  }
0x5: {  	s20 =	simm.s32 $0x1;
	s21 =	simm.s32 $0x5;
	s22 =	simm.s32 $0x3  }
0x6: {  	s23 =	simm.s32 $0x7;
	s24 =	simm.s32 $0x2;
	s28 =	simm.s32 $0x8  }
0x7: {  	s29 =	simm.s32 $0x0;
	[smem:$0x7FF] =	sst s2;
	s3 =	sand.u32 $0x1, s3  }
0x8: {  	s14 =	sshll.u32 s6, $0x12;
	s5 =	ssub.s32 $0x2, s3;
	s15 =	sshll.u32 s3, $0x11  }
0x9: {  	_ =	strace $0x80000047;
	s26 =	sshrl.u32 s14, $0x2;
	s25 =	sshrl.u32 s5, $0x1  }
0xa: {  	s8 =	sor.u32 s15, s14;
	s16 =	sadd.s32 s26, s4;
	s26 =	simm.s32 $0x4  }
0xb: {  	s13 =	ssub.s32 s5, s25;
	s3 =	sadd.s32 s0, s8;
	s5 =	sshll.u32 s6, $0x6  }
0xc: {  	s12 =	sadd.s32 s8, s1;
	s19 =	sadd.s32 $0x8000, s16;
	s0 =	sadd.s32 s14, s0  }
0xd: {  	s1 =	sadd.s32 s14, s1;
	s16 =	sshrl.u32 s16, $0x3;
	s25 =	simm.s32 $0x6  }
0xe: {  	s30 =	sadd.s32 $0x10000, s3;
	s6 =	sor.u32 $0x1C05, s5;
	s31 =	sadd.s32 $0x1000, s3  }
0xf: {  	s8 =	sadd.s32 $0x11000, s3;
	s9 =	sadd.s32 $0xE000, s12;
	s10 =	sadd.s32 $0x1E000, s12  }
0x10: {  	s11 =	sadd.s32 $0xF000, s12;
	s12 =	sadd.s32 $0x1F000, s12;
	s13 =	smax.u32 s13, $0x1  }
0x11: {  	s14 =	sadd.s32 s15, s0;
	s15 =	sadd.s32 s15, s1;
	[dreg:$0x4] =	wrdreg s30  }
0x12: {  	s18 =	sor.u32 $0x1C06, s5;
	s19 =	sshrl.u32 s19, $0x3;
	[dreg:$0x5] =	wrdreg s31  }
.LBB2_1:
0x13: {  	[tilespmem:s2], [sflag:$0x1] =	stream.linear.gather [hbm4b:s3+s2], $0x8000, $0x38;
	v63 =	vld [tilespmem:$0x0]  }
0x14: {  	s0 =	rddreg [dreg:$0x4]  }
0x15: {  	[spmem:s16], [sflag:s6] =	dma.local [hbm:s0], $0x1000  }
0x16: {  	s0 =	rddreg [dreg:$0x5]  }
0x17: {  	[tilespmem:s17], [sflag:$0x2] =	stream.linear.gather [hbm4b:s0+s2], $0x8000, $0x38;
	v63 =	vld [tilespmem:$0x0]  }
0x18: {  	[spmem:s19], [sflag:s18] =	dma.local [hbm:s8], $0x1000  }
0x19: {  	_ =	swait.ge [sflag:s20], $0x8000  }
0x1a: {  	[sflag:s20] =	ssyncset.done $0x0  }
0x1b: {  	s7 =	sadd.s32 $0x0, s15;
	[sflag:s20] =	ssyncadd.s32 $0xFFFF8000  }
0x1c: {  	[hbm4b:s7+s2] =	stream.linear.scatter [tilespmem:s2], [sflag:$0x3], $0x8000, $0x38;
	v63 =	vld [tilespmem:$0x0]  }
0x1d: {  	_ =	swait.ge [sflag:s21], $0x1000  }
0x1e: {  	[sflag:s21] =	ssyncset.done $0x0  }
0x1f: {  	s30 =	sor.u32 $0x1C07, s5;
	s1 =	sadd.s32 $0x10000, s7;
	[sflag:s21] =	ssyncadd.s32 $0xFFFFF000  }
0x20: {  	[hbm:s1], [sflag:s30] =	dma.local [spmem:s16], $0x1000  }
0x21: {  	_ =	swait.ge [sflag:s22], $0x8000  }
0x22: {  	s4 =	sadd.s32 $0x0, s14;
	[sflag:s22] =	ssyncset.done $0x0  }
0x23: {  	s31 =	sadd.s32 $0x2000, s4;
	[sflag:s22] =	ssyncadd.s32 $0xFFFF8000  }
0x24: {  	[tilespmem:s2], [sflag:$0x1] =	stream.linear.gather [hbm4b:s31+s2], $0x8000, $0x38;
	v63 =	vld [tilespmem:$0x0]  }
0x25: {  	_ =	swait.ge [sflag:s23], $0x1000  }
0x26: {  	[sflag:s23] =	ssyncset.done $0x0  }
0x27: {  	s31 =	sadd.s32 $0x12000, s4;
	[sflag:s23] =	ssyncadd.s32 $0xFFFFF000  }
0x28: {  	[spmem:s16], [sflag:s6] =	dma.local [hbm:s31], $0x1000  }
0x29: {  	_ =	swait.ge [sflag:s24], $0x8000  }
0x2a: {  	[sflag:s24] =	ssyncset.done $0x0  }
0x2b: {  	s31 =	sadd.s32 $0x1000, s7;
	[sflag:s24] =	ssyncadd.s32 $0xFFFF8000  }
0x2c: {  	[hbm4b:s31+s2] =	stream.linear.scatter [tilespmem:s17], [sflag:$0x4], $0x8000, $0x38;
	v63 =	vld [tilespmem:$0x0]  }
0x2d: {  	_ =	swait.ge [sflag:s25], $0x1000  }
0x2e: {  	[sflag:s25] =	ssyncset.done $0x0  }
0x2f: {  	s0 =	sadd.s32 $0x11000, s7;
	s31 =	sor.u32 $0x1C08, s5;
	[sflag:s25] =	ssyncadd.s32 $0xFFFFF000  }
0x30: {  	[hbm:s0], [sflag:s31] =	dma.local [spmem:s19], $0x1000  }
0x31: {  	_ =	swait.ge [sflag:s26], $0x8000  }
0x32: {  	[sflag:s26] =	ssyncset.done $0x0  }
0x33: {  	s7 =	sadd.s32 $0x3000, s4;
	[sflag:s26] =	ssyncadd.s32 $0xFFFF8000  }
0x34: {  	[tilespmem:s17], [sflag:$0x2] =	stream.linear.gather [hbm4b:s7+s2], $0x8000, $0x38;
	v63 =	vld [tilespmem:$0x0]  }
0x35: {  	_ =	swait.ge [sflag:s28], $0x1000  }
0x36: {  	[sflag:s28] =	ssyncset.done $0x0  }
0x37: {  	s1 =	sadd.s32 $0x13000, s4;
	s0 =	simm.s32 $0x2000;
	[sflag:s28] =	ssyncadd.s32 $0xFFFFF000  }
.LBB2_2:
0x38: {  	[spmem:s19], [sflag:s18] =	dma.local [hbm:s1], $0x1000  }
0x39: {  	s1 =	smov.u32 s0  }
0x3a: {  	p0 =	sne.s32 s0, $0xC000;
	s0 =	sadd.s32 $0x2000, s0;
	_ =	swait.ge [sflag:s20], $0x8000  }
0x3b: {  	[sflag:s20] =	ssyncset.done $0x0  }
0x3c: {  	s4 =	sadd.s32 s1, s15;
	[sflag:s20] =	ssyncadd.s32 $0xFFFF8000  }
0x3d: {  	[hbm4b:s4+s2] =	stream.linear.scatter [tilespmem:s2], [sflag:$0x3], $0x8000, $0x38;
	v63 =	vld [tilespmem:$0x0]  }
0x3e: {  	_ =	swait.ge [sflag:s21], $0x1000  }
0x3f: {  	[sflag:s21] =	ssyncset.done $0x0  }
0x40: {  	s7 =	sadd.s32 $0x10000, s4;
	[sflag:s21] =	ssyncadd.s32 $0xFFFFF000  }
0x41: {  	[hbm:s7], [sflag:s30] =	dma.local [spmem:s16], $0x1000  }
0x42: {  	_ =	swait.ge [sflag:s22], $0x8000  }
0x43: {  	s1 =	sadd.s32 s1, s14;
	[sflag:s22] =	ssyncset.done $0x0  }
0x44: {  	s7 =	sadd.s32 $0x2000, s1;
	[sflag:s22] =	ssyncadd.s32 $0xFFFF8000  }
0x45: {  	[tilespmem:s2], [sflag:$0x1] =	stream.linear.gather [hbm4b:s7+s2], $0x8000, $0x38;
	v63 =	vld [tilespmem:$0x0]  }
0x46: {  	_ =	swait.ge [sflag:s23], $0x1000  }
0x47: {  	[sflag:s23] =	ssyncset.done $0x0  }
0x48: {  	s7 =	sadd.s32 $0x12000, s1;
	[sflag:s23] =	ssyncadd.s32 $0xFFFFF000  }
0x49: {  	[spmem:s16], [sflag:s6] =	dma.local [hbm:s7], $0x1000  }
0x4a: {  	_ =	swait.ge [sflag:s24], $0x8000  }
0x4b: {  	[sflag:s24] =	ssyncset.done $0x0  }
0x4c: {  	s7 =	sadd.s32 $0x1000, s4;
	[sflag:s24] =	ssyncadd.s32 $0xFFFF8000  }
0x4d: {  	[hbm4b:s7+s2] =	stream.linear.scatter [tilespmem:s17], [sflag:$0x4], $0x8000, $0x38;
	v63 =	vld [tilespmem:$0x0]  }
0x4e: {  	_ =	swait.ge [sflag:s25], $0x1000  }
0x4f: {  	[sflag:s25] =	ssyncset.done $0x0  }
0x50: {  	s4 =	sadd.s32 $0x11000, s4;
	[sflag:s25] =	ssyncadd.s32 $0xFFFFF000  }
0x51: {  	[hbm:s4], [sflag:s31] =	dma.local [spmem:s19], $0x1000  }
0x52: {  	_ =	swait.ge [sflag:s26], $0x8000  }
0x53: {  	[sflag:s26] =	ssyncset.done $0x0  }
.Ltmp0:
0x54: {  	s4 =	sadd.s32 $0x3000, s1;
	[sflag:s26] =	ssyncadd.s32 $0xFFFF8000;
	(pc) =	sbr.rel @p0 .LBB2_2-.Ltmp0, $4  }
0x55: {  	[tilespmem:s17], [sflag:$0x2] =	stream.linear.gather [hbm4b:s4+s2], $0x8000, $0x38;
	v63 =	vld [tilespmem:$0x0]  }
0x56: {  	_ =	swait.ge [sflag:s28], $0x1000  }
0x57: {  	[sflag:s28] =	ssyncset.done $0x0  }
0x58: {  	s1 =	sadd.s32 $0x13000, s1;
	[sflag:s28] =	ssyncadd.s32 $0xFFFFF000  }
0x59: {  	[spmem:s19], [sflag:s18] =	dma.local [hbm:s1], $0x1000  }
0x5a: {  	_ =	swait.ge [sflag:s20], $0x8000  }
0x5b: {  	[sflag:s20] =	ssyncset.done $0x0  }
0x5c: {  	[sflag:s20] =	ssyncadd.s32 $0xFFFF8000  }
0x5d: {  	[hbm4b:s9+s2] =	stream.linear.scatter [tilespmem:s2], [sflag:$0x3], $0x8000, $0x38;
	v63 =	vld [tilespmem:$0x0]  }
0x5e: {  	_ =	swait.ge [sflag:s21], $0x1000  }
0x5f: {  	[sflag:s21] =	ssyncset.done $0x0  }
0x60: {  	[sflag:s21] =	ssyncadd.s32 $0xFFFFF000  }
0x61: {  	[hbm:s10], [sflag:s30] =	dma.local [spmem:s16], $0x1000  }
0x62: {  	_ =	swait.ge [sflag:s22], $0x8000  }
0x63: {  	[sflag:s22] =	ssyncset.done $0x0  }
0x64: {  	[sflag:s22] =	ssyncadd.s32 $0xFFFF8000  }
0x65: {  	_ =	swait.ge [sflag:s23], $0x1000  }
0x66: {  	[sflag:s23] =	ssyncset.done $0x0  }
0x67: {  	[sflag:s23] =	ssyncadd.s32 $0xFFFFF000  }
0x68: {  	_ =	swait.ge [sflag:s24], $0x8000  }
0x69: {  	[sflag:s24] =	ssyncset.done $0x0  }
0x6a: {  	[sflag:s24] =	ssyncadd.s32 $0xFFFF8000  }
0x6b: {  	[hbm4b:s11+s2] =	stream.linear.scatter [tilespmem:s17], [sflag:$0x4], $0x8000, $0x38;
	v63 =	vld [tilespmem:$0x0]  }
0x6c: {  	_ =	swait.ge [sflag:s25], $0x1000  }
0x6d: {  	[sflag:s25] =	ssyncset.done $0x0  }
0x6e: {  	s29 =	sadd.s32 $0x1, s29;
	[sflag:s25] =	ssyncadd.s32 $0xFFFFF000  }
0x6f: {  	[hbm:s12], [sflag:s31] =	dma.local [spmem:s19], $0x1000  }
0x70: {  	p0 =	sne.s32 s29, s13;
	_ =	swait.ge [sflag:s26], $0x8000  }
.Ltmp1:
0x71: {  	[sflag:s26] =	ssyncset.done $0x0;
	(pc) =	sbr.rel @p0 .LBB2_1-.Ltmp1, $4  }
0x72: {  	[sflag:s26] =	ssyncadd.s32 $0xFFFF8000  }
0x73: {  	_ =	swait.ge [sflag:s28], $0x1000  }
0x74: {  	[sflag:s28] =	ssyncset.done $0x0  }
0x75: {  	[sflag:s28] =	ssyncadd.s32 $0xFFFFF000  }
0x76: {  	_ =	sfence.sel $0x180000  }
0x77: {  	[bflag:$0x0] =	sbarrier.arrive $0xFFFF  }
0x78: {  	_ =	strace $0x90000047  }
0x79: {  	s0 =	stileid.u32;
	[bflag:$0x2] =	sbarrier.arrive $0xFFFF  }
0x7a: {  	p0 =	sne.s32 s0, $0x0;
	s0 =	rddreg [dreg:$0x3]  }
0x7b: {  	s0 =	sadd.s32 @!p0 $0x100000, s0  }
0x7c: {  	[sflag:s0] =	ssyncadd.tile.s32 @!p0 $0x1;
	_ =	shalt  }
.Lfunc_end2:
_tile_overlayer_lowered:
.L_overlay_start_2:
0x7d: {  	(tag) =	ssettag $0x2  }
0x7e: {  	s0 =	rddreg [dreg:$0x0];
	s2 =	stileid.u32  }
0x7f: {  	s1 =	rddreg [dreg:$0x1];
	p0 =	sne.s32 s2, $0x0  }
0x80: {  	s3 =	rddreg [dreg:$0x2];
	[bflag:$0x3] =	sbarrier.arrive $0xFFFF;
	s2 =	simm.s32 @!p0 $0x1C09  }
0x81: {  	[timem:s3], [sflag:s2] =	dma.local @!p0 [hbm:s0], s1  }
0x82: {  	s0 =	simm.s32 @!p0 $0x9  }
0x83: {  	_ =	swait.ge @!p0 [sflag:s0], s1  }
0x84: {  	s1 =	ssub.s32 @!p0 $0x0, s1;
	[sflag:s0] =	ssyncset.done @!p0 $0x0  }
0x85: {  	[sflag:s0] =	ssyncadd.s32 @!p0 s1  }
0x86: {  	[bflag:$0x3] =	sbarrier.arrive $0xFFFF  }
0x87: {  	_ =	shalt  }

</sc_bundles>
